<compile_context>
chip_gen: v7x
topology: tpu7x:2x2x1
jax: 0.10.2.dev20260603
libtpu: 0.0.44.dev20260713+nightly
codegen_flags: <defaults>
</compile_context>

<pallas_src>
import functools

import jax
import jax.numpy as jnp
from jax import lax
from jax.experimental import pallas as pl
from jax.experimental.pallas import tpu as pltpu
from jax.experimental.pallas import tpu_sc as plsc

S = 64.0
B = 1024
C = 100000

_BLK_R = 32
_RB = B // _BLK_R



def _tc_stream_body(lab_sref, cos_ref, ctm_ref, lab_ref,
                    sum_ref, stage_ref, stage_v, sem):
    rb = pl.program_id(0)

    copies = []
    for k in range(_BLK_R):
        r = rb * _BLK_R + k
        r0 = rb * _BLK_R + (k // 8) * 8
        l = lab_sref[r]
        w = pl.multiple_of((l >> 7) << 7, 128)
        cp = pltpu.make_async_copy(
            ctm_ref.at[pl.ds(r0, 8), pl.ds(w, 128)],
            stage_v.at[k],
            sem,
        )
        cp.start()
        copies.append(cp)

    x = cos_ref[...] * S
    col = lax.broadcasted_iota(jnp.int32, (_BLK_R, C), 1)
    drop = (col == lab_ref[...]) | (col >= C)
    e = jnp.where(drop, 0.0, jnp.exp(x))
    sum_ref[...] = jnp.sum(e, axis=1, keepdims=True)

    for cp in copies:
        cp.wait()
    stage_ref[...] = stage_v[...][None]


def _tc_stream(cos_theta, cos_theta_m, label, label2d, interpret=False):
    grid_spec = pltpu.PrefetchScalarGridSpec(
        num_scalar_prefetch=1,
        grid=(_RB,),
        in_specs=[
            pl.BlockSpec((_BLK_R, C), lambda rb, lab: (rb, 0)),
            pl.BlockSpec(memory_space=pltpu.MemorySpace.HBM),
            pl.BlockSpec((_BLK_R, 1), lambda rb, lab: (rb, 0)),
        ],
        out_specs=[
            pl.BlockSpec((_BLK_R, 1), lambda rb, lab: (rb, 0)),
            pl.BlockSpec((1, _BLK_R, 8, 128), lambda rb, lab: (rb, 0, 0, 0)),
        ],
        scratch_shapes=[
            pltpu.VMEM((_BLK_R, 8, 128), jnp.float32),
            pltpu.SemaphoreType.DMA,
        ],
    )
    return pl.pallas_call(
        _tc_stream_body,
        grid_spec=grid_spec,
        out_shape=[
            jax.ShapeDtypeStruct((B, 1), jnp.float32),
            jax.ShapeDtypeStruct((_RB, _BLK_R, 8, 128), jnp.float32),
        ],
        compiler_params=pltpu.CompilerParams(
            dimension_semantics=("arbitrary",),
        ),
        interpret=interpret,
    )(label, cos_theta, cos_theta_m, label2d)



_NC = 2
_NS = 16
_L = 16
_NW = _NC * _NS
_B_PER_W = B // _NW


def _sc_gather_kernel(staged_hbm, label_hbm, m_hbm, idx_v, val_v, sem):
    wid = lax.axis_index("s") * _NC + lax.axis_index("c")
    base = wid * _B_PER_W
    pltpu.sync_copy(label_hbm.at[pl.ds(base, _B_PER_W)], idx_v)
    for j in range(_B_PER_W // _L):
        lbl = idx_v[pl.ds(j * _L, _L)]
        rows = lax.iota(jnp.int32, _L) + (base + j * _L)
        idx_v[pl.ds(j * _L, _L)] = (rows * 8 + (rows & 7)) * 128 + (lbl & 127)
    pltpu.async_copy(staged_hbm.at[idx_v], val_v, sem).wait()
    pltpu.sync_copy(val_v, m_hbm.at[pl.ds(base, _B_PER_W)])


def _sc_gather(staged_flat, label):
    mesh = plsc.VectorSubcoreMesh(core_axis_name="c", subcore_axis_name="s")
    fn = functools.partial(
        pl.kernel,
        mesh=mesh,
        out_type=jax.ShapeDtypeStruct((B,), jnp.float32),
        scratch_types=[
            pltpu.VMEM((_B_PER_W,), jnp.int32),
            pltpu.VMEM((_B_PER_W,), jnp.float32),
            pltpu.SemaphoreType.DMA,
        ],
    )(_sc_gather_kernel)
    return fn(staged_flat, label)




def _tc_combine_body(sum_ref, m_ref, out_ref):
    sm = m_ref[...] * S
    total = sum_ref[...] + jnp.exp(sm)
    li = jnp.log(total) - sm
    out_ref[...] = jnp.sum(li, axis=0, keepdims=True) / B


def _tc_combine(sums, m2d, interpret=False):
    return pl.pallas_call(
        _tc_combine_body,
        out_shape=jax.ShapeDtypeStruct((1, 1), jnp.float32),
        interpret=interpret,
    )(sums, m2d)


def kernel(cos_theta, cos_theta_m, label):
    label = label.astype(jnp.int32)
    sums, staged = _tc_stream(cos_theta, cos_theta_m, label,
                              label.reshape(B, 1))
    m = _sc_gather(staged.reshape(B * 8 * 128), label)
    out = _tc_combine(sums, m.reshape(B, 1))
    return out[0, 0]

# --- scband reference (transcript-rebuilt; emitter-appended) ---
"""Pipeline reference for scband-arcface-65231963292286 (READ-ONLY COPY).

The authoritative reference and input builder live on the scoring server;
editing this copy changes nothing except your own understanding.
"""

import jax, jax.numpy as jnp
import numpy as np

S = 64.0

def setup_inputs(seed: int = 0) -> dict:
    key = jax.random.key(seed)
    k1, k2, k3 = jax.random.split(key, 3)
    B, C = 1024, 100000
    cos_theta = jax.random.uniform(k1, (B, C), dtype=jnp.float32) * 2.0 - 1.0
    cos_theta_m = jax.random.uniform(k2, (B, C), dtype=jnp.float32) * 2.0 - 1.0
    label = jax.random.randint(k3, (B,), 0, C, dtype=jnp.int32)
    return {"cos_theta": cos_theta, "cos_theta_m": cos_theta_m, "label": label}


def reference(cos_theta, cos_theta_m, label):
    B = cos_theta.shape[0]
    idx = jnp.arange(B)
    # scatter-overwrite the target-class logit with the margin-adjusted cosine
    output = cos_theta.at[idx, label].set(cos_theta_m[idx, label])
    output = output * S
    # CrossEntropyLoss with mean reduction
    log_probs = jax.nn.log_softmax(output, axis=-1)
    loss = -jnp.mean(log_probs[idx, label])
    return loss

if __name__ == "__main__":
    import jax
    _d = setup_inputs()
    print(jax.jit(kernel)(*tuple(_d.values())))

</pallas_src>

<mosaic_0001>
#map = affine_map<(d0, d1) -> (0)>
module attributes {stable_mosaic.version = 14 : i64} {
  func.func @_sc_gather_kernel(%arg0: i32, %arg1: i32, %arg2: memref<1048576xf32, #tpu.memory_space<hbm>>, %arg3: memref<1024xi32, #tpu.memory_space<hbm>>, %arg4: memref<1024xf32, #tpu.memory_space<hbm>>, %arg5: memref<32xi32, #tpu.memory_space<vmem>>, %arg6: memref<32xf32, #tpu.memory_space<vmem>>, %arg7: memref<!tpu.dma_semaphore, #tpu.memory_space<semaphore_mem>>) attributes {dimension_semantics = [#tpu.dimension_semantics<core_parallel>, #tpu.dimension_semantics<subcore_parallel>], iteration_bounds = array<i64: 2, 16>, scalar_prefetch = 0 : i64, scratch_operands = 3 : i64, tpu.core_type = #tpu.core_type<sc_vector_subcore>, window_params = [{transform_indices = #map}, {transform_indices = #map}, {transform_indices = #map}]} {
    %mul3A = arith.constant 2 : i32
    %mul3A_0 = arith.muli %arg1, %mul3A : i32
    %add3A = arith.addi %mul3A_0, %arg0 : i32
    %mul3A_1 = arith.constant 32 : i32
    %mul3A_2 = arith.muli %add3A, %mul3A_1 : i32
    "tpu.region"() ({
      %run_scoped3A = tpu.sem_alloc : memref<!tpu.dma_semaphore, #tpu.memory_space<semaphore_mem>>
      %dma_start3A_53 = tpu.memref_slice %arg3[%mul3A_2] : memref<1024xi32, #tpu.memory_space<hbm>> -> memref<32xi32, #tpu.memory_space<hbm>>
      %dma_start3A_54 = tpu.memref_slice %arg3[%mul3A_2] : memref<1024xi32, #tpu.memory_space<hbm>> -> memref<32xi32, #tpu.memory_space<hbm>>
      tpu.enqueue_dma source(%dma_start3A_54 : memref<32xi32, #tpu.memory_space<hbm>>) target(%arg5 : memref<32xi32, #tpu.memory_space<vmem>>) target_semaphore(%run_scoped3A : memref<!tpu.dma_semaphore, #tpu.memory_space<semaphore_mem>>)
      %dma_wait3A_55 = tpu.memref_slice %arg3[%mul3A_2] : memref<1024xi32, #tpu.memory_space<hbm>> -> memref<32xi32, #tpu.memory_space<hbm>>
      %dma_wait3A_56 = tpu.memref_slice %arg3[%mul3A_2] : memref<1024xi32, #tpu.memory_space<hbm>> -> memref<32xi32, #tpu.memory_space<hbm>>
      tpu.wait_dma2 semaphore(%run_scoped3A : memref<!tpu.dma_semaphore, #tpu.memory_space<semaphore_mem>>) src(%dma_wait3A_56 : memref<32xi32, #tpu.memory_space<hbm>>) dst(%arg5 : memref<32xi32, #tpu.memory_space<vmem>>)
      tpu.yield
    }) : () -> ()
    %get3A = arith.constant 0 : index
    %get3A_3 = tpu.vector_load %arg5[%get3A] {strides = array<i32>} : memref<32xi32, #tpu.memory_space<vmem>>, vector<16xi32>,
    %get3A_4 = vector.shape_cast %get3A_3 : vector<16xi32> to vector<16xi32>
    %iota3A = tpu.iota {dimensions = array<i32: 0>} : vector<16xi32>
    %add3A_5 = arith.constant 0 : i32
    %add3A_6 = arith.addi %mul3A_2, %add3A_5 : i32
    %add3A_7 = vector.broadcast %add3A_6 : i32 to vector<16xi32>
    %add3A_8 = arith.addi %iota3A, %add3A_7 : vector<16xi32>
    %mul3A_9 = arith.constant 8 : i32
    %mul3A_10 = vector.broadcast %mul3A_9 : i32 to vector<16xi32>
    %mul3A_11 = arith.muli %add3A_8, %mul3A_10 : vector<16xi32>
    %and3A = arith.constant 7 : i32
    %and3A_12 = vector.broadcast %and3A : i32 to vector<16xi32>
    %and3A_13 = arith.andi %add3A_8, %and3A_12 : vector<16xi32>
    %add3A_14 = arith.addi %mul3A_11, %and3A_13 : vector<16xi32>
    %mul3A_15 = arith.constant 128 : i32
    %mul3A_16 = vector.broadcast %mul3A_15 : i32 to vector<16xi32>
    %mul3A_17 = arith.muli %add3A_14, %mul3A_16 : vector<16xi32>
    %and3A_18 = arith.constant 127 : i32
    %and3A_19 = vector.broadcast %and3A_18 : i32 to vector<16xi32>
    %and3A_20 = arith.andi %get3A_4, %and3A_19 : vector<16xi32>
    %add3A_21 = arith.addi %mul3A_17, %and3A_20 : vector<16xi32>
    %swap3A = arith.constant 0 : index
    %swap3A_22 = tpu.vector_load %arg5[%swap3A] {strides = array<i32>} : memref<32xi32, #tpu.memory_space<vmem>>, vector<16xi32>,
    %swap3A_23 = vector.shape_cast %swap3A_22 : vector<16xi32> to vector<16xi32>
    %swap3A_24 = vector.shape_cast %add3A_21 : vector<16xi32> to vector<16xi32>
    tpu.vector_store %arg5[%swap3A], %swap3A_24 {strides = array<i32>} : memref<32xi32, #tpu.memory_space<vmem>>, vector<16xi32>,
    %get3A_25 = arith.constant 16 : index
    %get3A_26 = tpu.vector_load %arg5[%get3A_25] {strides = array<i32>} : memref<32xi32, #tpu.memory_space<vmem>>, vector<16xi32>,
    %get3A_27 = vector.shape_cast %get3A_26 : vector<16xi32> to vector<16xi32>
    %iota3A_28 = tpu.iota {dimensions = array<i32: 0>} : vector<16xi32>
    %add3A_29 = arith.constant 16 : i32
    %add3A_30 = arith.addi %mul3A_2, %add3A_29 : i32
    %add3A_31 = vector.broadcast %add3A_30 : i32 to vector<16xi32>
    %add3A_32 = arith.addi %iota3A_28, %add3A_31 : vector<16xi32>
    %mul3A_33 = arith.constant 8 : i32
    %mul3A_34 = vector.broadcast %mul3A_33 : i32 to vector<16xi32>
    %mul3A_35 = arith.muli %add3A_32, %mul3A_34 : vector<16xi32>
    %and3A_36 = arith.constant 7 : i32
    %and3A_37 = vector.broadcast %and3A_36 : i32 to vector<16xi32>
    %and3A_38 = arith.andi %add3A_32, %and3A_37 : vector<16xi32>
    %add3A_39 = arith.addi %mul3A_35, %and3A_38 : vector<16xi32>
    %mul3A_40 = arith.constant 128 : i32
    %mul3A_41 = vector.broadcast %mul3A_40 : i32 to vector<16xi32>
    %mul3A_42 = arith.muli %add3A_39, %mul3A_41 : vector<16xi32>
    %and3A_43 = arith.constant 127 : i32
    %and3A_44 = vector.broadcast %and3A_43 : i32 to vector<16xi32>
    %and3A_45 = arith.andi %get3A_27, %and3A_44 : vector<16xi32>
    %add3A_46 = arith.addi %mul3A_42, %and3A_45 : vector<16xi32>
    %swap3A_47 = arith.constant 16 : index
    %swap3A_48 = tpu.vector_load %arg5[%swap3A_47] {strides = array<i32>} : memref<32xi32, #tpu.memory_space<vmem>>, vector<16xi32>,
    %swap3A_49 = vector.shape_cast %swap3A_48 : vector<16xi32> to vector<16xi32>
    %swap3A_50 = vector.shape_cast %add3A_46 : vector<16xi32> to vector<16xi32>
    tpu.vector_store %arg5[%swap3A_47], %swap3A_50 {strides = array<i32>} : memref<32xi32, #tpu.memory_space<vmem>>, vector<16xi32>,
    %dma_start3A = arith.constant 0 : i32
    %dma_start3A_51 = tpu.memref_slice %arg2[%dma_start3A] : memref<1048576xf32, #tpu.memory_space<hbm>> -> memref<1048576xf32, #tpu.memory_space<hbm>>
    tpu.enqueue_indirect_dma source(%dma_start3A_51 : memref<1048576xf32, #tpu.memory_space<hbm>>) target(%arg6 : memref<32xf32, #tpu.memory_space<vmem>>) offsets(%arg5 : memref<32xi32, #tpu.memory_space<vmem>>) semaphore(%arg7 : memref<!tpu.dma_semaphore, #tpu.memory_space<semaphore_mem>>)
    %dma_wait3A = arith.constant 0 : i32
    %dma_wait3A_52 = tpu.memref_slice %arg2[%dma_wait3A] : memref<1048576xf32, #tpu.memory_space<hbm>> -> memref<1048576xf32, #tpu.memory_space<hbm>>
    tpu.wait_indirect_dma semaphore(%arg7 : memref<!tpu.dma_semaphore, #tpu.memory_space<semaphore_mem>>) src(%dma_wait3A_52 : memref<1048576xf32, #tpu.memory_space<hbm>>) dst(%arg6 : memref<32xf32, #tpu.memory_space<vmem>>)
    "tpu.region"() ({
      %run_scoped3A = tpu.sem_alloc : memref<!tpu.dma_semaphore, #tpu.memory_space<semaphore_mem>>
      %dma_start3A_53 = tpu.memref_slice %arg4[%mul3A_2] : memref<1024xf32, #tpu.memory_space<hbm>> -> memref<32xf32, #tpu.memory_space<hbm>>
      %dma_start3A_54 = tpu.memref_slice %arg4[%mul3A_2] : memref<1024xf32, #tpu.memory_space<hbm>> -> memref<32xf32, #tpu.memory_space<hbm>>
      tpu.enqueue_dma source(%arg6 : memref<32xf32, #tpu.memory_space<vmem>>) target(%dma_start3A_54 : memref<32xf32, #tpu.memory_space<hbm>>) target_semaphore(%run_scoped3A : memref<!tpu.dma_semaphore, #tpu.memory_space<semaphore_mem>>)
      %dma_wait3A_55 = tpu.memref_slice %arg4[%mul3A_2] : memref<1024xf32, #tpu.memory_space<hbm>> -> memref<32xf32, #tpu.memory_space<hbm>>
      %dma_wait3A_56 = tpu.memref_slice %arg4[%mul3A_2] : memref<1024xf32, #tpu.memory_space<hbm>> -> memref<32xf32, #tpu.memory_space<hbm>>
      tpu.wait_dma2 semaphore(%run_scoped3A : memref<!tpu.dma_semaphore, #tpu.memory_space<semaphore_mem>>) src(%arg6 : memref<32xf32, #tpu.memory_space<vmem>>) dst(%dma_wait3A_56 : memref<32xf32, #tpu.memory_space<hbm>>)
      tpu.yield
    }) : () -> ()
    return
  }
}

module attributes {stable_mosaic.version = 14 : i64} {
  func.func @_tc_combine_body(%arg0: memref<1024x1xf32, #tpu.memory_space<vmem>>, %arg1: memref<1024x1xf32, #tpu.memory_space<vmem>>, %arg2: memref<1x1xf32, #tpu.memory_space<vmem>>) attributes {dimension_semantics = [], scalar_prefetch = 0 : i64, scratch_operands = 0 : i64, tpu.core_type = #tpu.core_type<tc>} {
    %get3A = arith.constant 0 : index
    %get3A_0 = arith.constant 0 : index
    %get3A_1 = vector.load %arg1[%get3A, %get3A_0] : memref<1024x1xf32, #tpu.memory_space<vmem>>, vector<1024x1xf32>
    %mul3A = arith.constant 6.400000e+01 : f32
    %mul3A_2 = vector.broadcast %mul3A : f32 to vector<1024x1xf32>
    %mul3A_3 = arith.mulf %get3A_1, %mul3A_2 : vector<1024x1xf32>
    %get3A_4 = arith.constant 0 : index
    %get3A_5 = arith.constant 0 : index
    %get3A_6 = vector.load %arg0[%get3A_4, %get3A_5] : memref<1024x1xf32, #tpu.memory_space<vmem>>, vector<1024x1xf32>
    %exp3A = math.exp %mul3A_3 : vector<1024x1xf32>
    %add3A = arith.addf %get3A_6, %exp3A : vector<1024x1xf32>
    %log3A = math.log %add3A : vector<1024x1xf32>
    %sub3A = arith.subf %log3A, %mul3A_3 : vector<1024x1xf32>
    %reduce_sum3A = arith.constant dense<0.000000e+00> : vector<1xf32>
    %reduce_sum3A_7 = vector.multi_reduction <add>, %sub3A, %reduce_sum3A [0] : vector<1024x1xf32> to vector<1xf32>
    %broadcast_in_dim3A = vector.shape_cast %reduce_sum3A_7 : vector<1xf32> to vector<1x1xf32>
    %div3A = arith.constant 1.024000e+03 : f32
    %div3A_8 = vector.broadcast %div3A : f32 to vector<1x1xf32>
    %div3A_9 = arith.divf %broadcast_in_dim3A, %div3A_8 : vector<1x1xf32>
    %swap3A = arith.constant 0 : index
    %swap3A_10 = arith.constant 0 : index
    %swap3A_11 = vector.load %arg2[%swap3A, %swap3A_10] : memref<1x1xf32, #tpu.memory_space<vmem>>, vector<1x1xf32>
    tpu.vector_store %arg2[%swap3A, %swap3A_10], %div3A_9 {strides = array<i32>} : memref<1x1xf32, #tpu.memory_space<vmem>>, vector<1x1xf32>,
    return
  }
}

module attributes {stable_mosaic.version = 14 : i64} {
  func.func @_tc_stream_body(%arg0: i32, %arg1: memref<1024xi32, #tpu.memory_space<smem>>, %arg2: memref<32x100000xf32, #tpu.memory_space<vmem>>, %arg3: memref<1024x100000xf32, #tpu.memory_space<hbm>>, %arg4: memref<32x1xi32, #tpu.memory_space<vmem>>, %arg5: memref<32x1xf32, #tpu.memory_space<vmem>>, %arg6: memref<1x32x8x128xf32, #tpu.memory_space<vmem>>, %arg7: memref<32x8x128xf32, #tpu.memory_space<vmem>>, %arg8: memref<!tpu.dma_semaphore, #tpu.memory_space<semaphore_mem>>) attributes {dimension_semantics = [#tpu.dimension_semantics<arbitrary>], iteration_bounds = array<i64: 32>, scalar_prefetch = 1 : i64, scratch_operands = 2 : i64, tpu.core_type = #tpu.core_type<tc>, window_params = [{transform_indices = @transform_0, window_bounds = array<i64: 32, 100000>}, {}, {transform_indices = @transform_2, window_bounds = array<i64: 32, 1>}, {transform_indices = @transform_3, window_bounds = array<i64: 32, 1>}, {transform_indices = @transform_4, window_bounds = array<i64: 1, 32, 8, 128>}]} {
    %mul3A = arith.constant 32 : i32
    %mul3A_0 = arith.muli %arg0, %mul3A : i32
    %add3A = arith.constant 0 : i32
    %add3A_1 = arith.addi %mul3A_0, %add3A : i32
    %mul3A_2 = arith.constant 32 : i32
    %mul3A_3 = arith.muli %arg0, %mul3A_2 : i32
    %add3A_4 = arith.constant 0 : i32
    %add3A_5 = arith.addi %mul3A_3, %add3A_4 : i32
    %get3A = arith.index_cast %add3A_1 : i32 to index
    %get3A_6 = memref.load %arg1[%get3A] : memref<1024xi32, #tpu.memory_space<smem>>
    %shift_right_arithmetic3A = arith.constant 7 : i32
    %shift_right_arithmetic3A_7 = arith.shrsi %get3A_6, %shift_right_arithmetic3A : i32
    %shift_left3A = arith.constant 7 : i32
    %shift_left3A_8 = arith.shli %shift_right_arithmetic3A_7, %shift_left3A : i32
    %multiple_of3A = tpu.assume_multiple %shift_left3A_8, 128 : i32
    %dma_start3A = arith.constant 0 : i32
    %dma_start3A_9 = arith.constant 0 : i32
    %dma_start3A_10 = arith.constant 0 : i32
    %dma_start3A_11 = tpu.memref_slice %arg7[%dma_start3A, %dma_start3A_9, %dma_start3A_10] : memref<32x8x128xf32, #tpu.memory_space<vmem>> -> memref<1x8x128xf32, #tpu.memory_space<vmem>>
    %dma_start3A_12 = tpu.memref_squeeze %dma_start3A_11 : memref<1x8x128xf32, #tpu.memory_space<vmem>> -> memref<8x128xf32, #tpu.memory_space<vmem>>
    %dma_start3A_13 = tpu.memref_slice %arg3[%add3A_5, %multiple_of3A] : memref<1024x100000xf32, #tpu.memory_space<hbm>> -> memref<8x128xf32, #tpu.memory_space<hbm>>
    tpu.enqueue_dma source(%dma_start3A_13 : memref<8x128xf32, #tpu.memory_space<hbm>>) target(%dma_start3A_12 : memref<8x128xf32, #tpu.memory_space<vmem>>) target_semaphore(%arg8 : memref<!tpu.dma_semaphore, #tpu.memory_space<semaphore_mem>>)
    %mul3A_14 = arith.constant 32 : i32
    %mul3A_15 = arith.muli %arg0, %mul3A_14 : i32
    %add3A_16 = arith.constant 1 : i32
    %add3A_17 = arith.addi %mul3A_15, %add3A_16 : i32
    %mul3A_18 = arith.constant 32 : i32
    %mul3A_19 = arith.muli %arg0, %mul3A_18 : i32
    %add3A_20 = arith.constant 0 : i32
    %add3A_21 = arith.addi %mul3A_19, %add3A_20 : i32
    %get3A_22 = arith.index_cast %add3A_17 : i32 to index
    %get3A_23 = memref.load %arg1[%get3A_22] : memref<1024xi32, #tpu.memory_space<smem>>
    %shift_right_arithmetic3A_24 = arith.constant 7 : i32
    %shift_right_arithmetic3A_25 = arith.shrsi %get3A_23, %shift_right_arithmetic3A_24 : i32
    %shift_left3A_26 = arith.constant 7 : i32
    %shift_left3A_27 = arith.shli %shift_right_arithmetic3A_25, %shift_left3A_26 : i32
    %multiple_of3A_28 = tpu.assume_multiple %shift_left3A_27, 128 : i32
    %dma_start3A_29 = arith.constant 1 : i32
    %dma_start3A_30 = arith.constant 0 : i32
    %dma_start3A_31 = arith.constant 0 : i32
    %dma_start3A_32 = tpu.memref_slice %arg7[%dma_start3A_29, %dma_start3A_30, %dma_start3A_31] : memref<32x8x128xf32, #tpu.memory_space<vmem>> -> memref<1x8x128xf32, #tpu.memory_space<vmem>>
    %dma_start3A_33 = tpu.memref_squeeze %dma_start3A_32 : memref<1x8x128xf32, #tpu.memory_space<vmem>> -> memref<8x128xf32, #tpu.memory_space<vmem>>
    %dma_start3A_34 = tpu.memref_slice %arg3[%add3A_21, %multiple_of3A_28] : memref<1024x100000xf32, #tpu.memory_space<hbm>> -> memref<8x128xf32, #tpu.memory_space<hbm>>
    tpu.enqueue_dma source(%dma_start3A_34 : memref<8x128xf32, #tpu.memory_space<hbm>>) target(%dma_start3A_33 : memref<8x128xf32, #tpu.memory_space<vmem>>) target_semaphore(%arg8 : memref<!tpu.dma_semaphore, #tpu.memory_space<semaphore_mem>>)
    %mul3A_35 = arith.constant 32 : i32
    %mul3A_36 = arith.muli %arg0, %mul3A_35 : i32
    %add3A_37 = arith.constant 2 : i32
    %add3A_38 = arith.addi %mul3A_36, %add3A_37 : i32
    %mul3A_39 = arith.constant 32 : i32
    %mul3A_40 = arith.muli %arg0, %mul3A_39 : i32
    %add3A_41 = arith.constant 0 : i32
    %add3A_42 = arith.addi %mul3A_40, %add3A_41 : i32
    %get3A_43 = arith.index_cast %add3A_38 : i32 to index
    %get3A_44 = memref.load %arg1[%get3A_43] : memref<1024xi32, #tpu.memory_space<smem>>
    %shift_right_arithmetic3A_45 = arith.constant 7 : i32
    %shift_right_arithmetic3A_46 = arith.shrsi %get3A_44, %shift_right_arithmetic3A_45 : i32
    %shift_left3A_47 = arith.constant 7 : i32
    %shift_left3A_48 = arith.shli %shift_right_arithmetic3A_46, %shift_left3A_47 : i32
    %multiple_of3A_49 = tpu.assume_multiple %shift_left3A_48, 128 : i32
    %dma_start3A_50 = arith.constant 2 : i32
    %dma_start3A_51 = arith.constant 0 : i32
    %dma_start3A_52 = arith.constant 0 : i32
    %dma_start3A_53 = tpu.memref_slice %arg7[%dma_start3A_50, %dma_start3A_51, %dma_start3A_52] : memref<32x8x128xf32, #tpu.memory_space<vmem>> -> memref<1x8x128xf32, #tpu.memory_space<vmem>>
    %dma_start3A_54 = tpu.memref_squeeze %dma_start3A_53 : memref<1x8x128xf32, #tpu.memory_space<vmem>> -> memref<8x128xf32, #tpu.memory_space<vmem>>
    %dma_start3A_55 = tpu.memref_slice %arg3[%add3A_42, %multiple_of3A_49] : memref<1024x100000xf32, #tpu.memory_space<hbm>> -> memref<8x128xf32, #tpu.memory_space<hbm>>
    tpu.enqueue_dma source(%dma_start3A_55 : memref<8x128xf32, #tpu.memory_space<hbm>>) target(%dma_start3A_54 : memref<8x128xf32, #tpu.memory_space<vmem>>) target_semaphore(%arg8 : memref<!tpu.dma_semaphore, #tpu.memory_space<semaphore_mem>>)
    %mul3A_56 = arith.constant 32 : i32
    %mul3A_57 = arith.muli %arg0, %mul3A_56 : i32
    %add3A_58 = arith.constant 3 : i32
    %add3A_59 = arith.addi %mul3A_57, %add3A_58 : i32
    %mul3A_60 = arith.constant 32 : i32
    %mul3A_61 = arith.muli %arg0, %mul3A_60 : i32
    %add3A_62 = arith.constant 0 : i32
    %add3A_63 = arith.addi %mul3A_61, %add3A_62 : i32
    %get3A_64 = arith.index_cast %add3A_59 : i32 to index
    %get3A_65 = memref.load %arg1[%get3A_64] : memref<1024xi32, #tpu.memory_space<smem>>
    %shift_right_arithmetic3A_66 = arith.constant 7 : i32
    %shift_right_arithmetic3A_67 = arith.shrsi %get3A_65, %shift_right_arithmetic3A_66 : i32
    %shift_left3A_68 = arith.constant 7 : i32
    %shift_left3A_69 = arith.shli %shift_right_arithmetic3A_67, %shift_left3A_68 : i32
    %multiple_of3A_70 = tpu.assume_multiple %shift_left3A_69, 128 : i32
    %dma_start3A_71 = arith.constant 3 : i32
    %dma_start3A_72 = arith.constant 0 : i32
    %dma_start3A_73 = arith.constant 0 : i32
    %dma_start3A_74 = tpu.memref_slice %arg7[%dma_start3A_71, %dma_start3A_72, %dma_start3A_73] : memref<32x8x128xf32, #tpu.memory_space<vmem>> -> memref<1x8x128xf32, #tpu.memory_space<vmem>>
    %dma_start3A_75 = tpu.memref_squeeze %dma_start3A_74 : memref<1x8x128xf32, #tpu.memory_space<vmem>> -> memref<8x128xf32, #tpu.memory_space<vmem>>
    %dma_start3A_76 = tpu.memref_slice %arg3[%add3A_63, %multiple_of3A_70] : memref<1024x100000xf32, #tpu.memory_space<hbm>> -> memref<8x128xf32, #tpu.memory_space<hbm>>
    tpu.enqueue_dma source(%dma_start3A_76 : memref<8x128xf32, #tpu.memory_space<hbm>>) target(%dma_start3A_75 : memref<8x128xf32, #tpu.memory_space<vmem>>) target_semaphore(%arg8 : memref<!tpu.dma_semaphore, #tpu.memory_space<semaphore_mem>>)
    %mul3A_77 = arith.constant 32 : i32
    %mul3A_78 = arith.muli %arg0, %mul3A_77 : i32
    %add3A_79 = arith.constant 4 : i32
    %add3A_80 = arith.addi %mul3A_78, %add3A_79 : i32
    %mul3A_81 = arith.constant 32 : i32
    %mul3A_82 = arith.muli %arg0, %mul3A_81 : i32
    %add3A_83 = arith.constant 0 : i32
    %add3A_84 = arith.addi %mul3A_82, %add3A_83 : i32
    %get3A_85 = arith.index_cast %add3A_80 : i32 to index
    %get3A_86 = memref.load %arg1[%get3A_85] : memref<1024xi32, #tpu.memory_space<smem>>
    %shift_right_arithmetic3A_87 = arith.constant 7 : i32
    %shift_right_arithmetic3A_88 = arith.shrsi %get3A_86, %shift_right_arithmetic3A_87 : i32
    %shift_left3A_89 = arith.constant 7 : i32
    %shift_left3A_90 = arith.shli %shift_right_arithmetic3A_88, %shift_left3A_89 : i32
    %multiple_of3A_91 = tpu.assume_multiple %shift_left3A_90, 128 : i32
    %dma_start3A_92 = arith.constant 4 : i32
    %dma_start3A_93 = arith.constant 0 : i32
    %dma_start3A_94 = arith.constant 0 : i32
    %dma_start3A_95 = tpu.memref_slice %arg7[%dma_start3A_92, %dma_start3A_93, %dma_start3A_94] : memref<32x8x128xf32, #tpu.memory_space<vmem>> -> memref<1x8x128xf32, #tpu.memory_space<vmem>>
    %dma_start3A_96 = tpu.memref_squeeze %dma_start3A_95 : memref<1x8x128xf32, #tpu.memory_space<vmem>> -> memref<8x128xf32, #tpu.memory_space<vmem>>
    %dma_start3A_97 = tpu.memref_slice %arg3[%add3A_84, %multiple_of3A_91] : memref<1024x100000xf32, #tpu.memory_space<hbm>> -> memref<8x128xf32, #tpu.memory_space<hbm>>
    tpu.enqueue_dma source(%dma_start3A_97 : memref<8x128xf32, #tpu.memory_space<hbm>>) target(%dma_start3A_96 : memref<8x128xf32, #tpu.memory_space<vmem>>) target_semaphore(%arg8 : memref<!tpu.dma_semaphore, #tpu.memory_space<semaphore_mem>>)
    %mul3A_98 = arith.constant 32 : i32
    %mul3A_99 = arith.muli %arg0, %mul3A_98 : i32
    %add3A_100 = arith.constant 5 : i32
    %add3A_101 = arith.addi %mul3A_99, %add3A_100 : i32
    %mul3A_102 = arith.constant 32 : i32
    %mul3A_103 = arith.muli %arg0, %mul3A_102 : i32
    %add3A_104 = arith.constant 0 : i32
    %add3A_105 = arith.addi %mul3A_103, %add3A_104 : i32
    %get3A_106 = arith.index_cast %add3A_101 : i32 to index
    %get3A_107 = memref.load %arg1[%get3A_106] : memref<1024xi32, #tpu.memory_space<smem>>
    %shift_right_arithmetic3A_108 = arith.constant 7 : i32
    %shift_right_arithmetic3A_109 = arith.shrsi %get3A_107, %shift_right_arithmetic3A_108 : i32
    %shift_left3A_110 = arith.constant 7 : i32
    %shift_left3A_111 = arith.shli %shift_right_arithmetic3A_109, %shift_left3A_110 : i32
    %multiple_of3A_112 = tpu.assume_multiple %shift_left3A_111, 128 : i32
    %dma_start3A_113 = arith.constant 5 : i32
    %dma_start3A_114 = arith.constant 0 : i32
    %dma_start3A_115 = arith.constant 0 : i32
    %dma_start3A_116 = tpu.memref_slice %arg7[%dma_start3A_113, %dma_start3A_114, %dma_start3A_115] : memref<32x8x128xf32, #tpu.memory_space<vmem>> -> memref<1x8x128xf32, #tpu.memory_space<vmem>>
    %dma_start3A_117 = tpu.memref_squeeze %dma_start3A_116 : memref<1x8x128xf32, #tpu.memory_space<vmem>> -> memref<8x128xf32, #tpu.memory_space<vmem>>
    %dma_start3A_118 = tpu.memref_slice %arg3[%add3A_105, %multiple_of3A_112] : memref<1024x100000xf32, #tpu.memory_space<hbm>> -> memref<8x128xf32, #tpu.memory_space<hbm>>
    tpu.enqueue_dma source(%dma_start3A_118 : memref<8x128xf32, #tpu.memory_space<hbm>>) target(%dma_start3A_117 : memref<8x128xf32, #tpu.memory_space<vmem>>) target_semaphore(%arg8 : memref<!tpu.dma_semaphore, #tpu.memory_space<semaphore_mem>>)
    %mul3A_119 = arith.constant 32 : i32
    %mul3A_120 = arith.muli %arg0, %mul3A_119 : i32
    %add3A_121 = arith.constant 6 : i32
    %add3A_122 = arith.addi %mul3A_120, %add3A_121 : i32
    %mul3A_123 = arith.constant 32 : i32
    %mul3A_124 = arith.muli %arg0, %mul3A_123 : i32
    %add3A_125 = arith.constant 0 : i32
    %add3A_126 = arith.addi %mul3A_124, %add3A_125 : i32
    %get3A_127 = arith.index_cast %add3A_122 : i32 to index
    %get3A_128 = memref.load %arg1[%get3A_127] : memref<1024xi32, #tpu.memory_space<smem>>
    %shift_right_arithmetic3A_129 = arith.constant 7 : i32
    %shift_right_arithmetic3A_130 = arith.shrsi %get3A_128, %shift_right_arithmetic3A_129 : i32
    %shift_left3A_131 = arith.constant 7 : i32
    %shift_left3A_132 = arith.shli %shift_right_arithmetic3A_130, %shift_left3A_131 : i32
    %multiple_of3A_133 = tpu.assume_multiple %shift_left3A_132, 128 : i32
    %dma_start3A_134 = arith.constant 6 : i32
    %dma_start3A_135 = arith.constant 0 : i32
    %dma_start3A_136 = arith.constant 0 : i32
    %dma_start3A_137 = tpu.memref_slice %arg7[%dma_start3A_134, %dma_start3A_135, %dma_start3A_136] : memref<32x8x128xf32, #tpu.memory_space<vmem>> -> memref<1x8x128xf32, #tpu.memory_space<vmem>>
    %dma_start3A_138 = tpu.memref_squeeze %dma_start3A_137 : memref<1x8x128xf32, #tpu.memory_space<vmem>> -> memref<8x128xf32, #tpu.memory_space<vmem>>
    %dma_start3A_139 = tpu.memref_slice %arg3[%add3A_126, %multiple_of3A_133] : memref<1024x100000xf32, #tpu.memory_space<hbm>> -> memref<8x128xf32, #tpu.memory_space<hbm>>
    tpu.enqueue_dma source(%dma_start3A_139 : memref<8x128xf32, #tpu.memory_space<hbm>>) target(%dma_start3A_138 : memref<8x128xf32, #tpu.memory_space<vmem>>) target_semaphore(%arg8 : memref<!tpu.dma_semaphore, #tpu.memory_space<semaphore_mem>>)
    %mul3A_140 = arith.constant 32 : i32
    %mul3A_141 = arith.muli %arg0, %mul3A_140 : i32
    %add3A_142 = arith.constant 7 : i32
    %add3A_143 = arith.addi %mul3A_141, %add3A_142 : i32
    %mul3A_144 = arith.constant 32 : i32
    %mul3A_145 = arith.muli %arg0, %mul3A_144 : i32
    %add3A_146 = arith.constant 0 : i32
    %add3A_147 = arith.addi %mul3A_145, %add3A_146 : i32
    %get3A_148 = arith.index_cast %add3A_143 : i32 to index
    %get3A_149 = memref.load %arg1[%get3A_148] : memref<1024xi32, #tpu.memory_space<smem>>
    %shift_right_arithmetic3A_150 = arith.constant 7 : i32
    %shift_right_arithmetic3A_151 = arith.shrsi %get3A_149, %shift_right_arithmetic3A_150 : i32
    %shift_left3A_152 = arith.constant 7 : i32
    %shift_left3A_153 = arith.shli %shift_right_arithmetic3A_151, %shift_left3A_152 : i32
    %multiple_of3A_154 = tpu.assume_multiple %shift_left3A_153, 128 : i32
    %dma_start3A_155 = arith.constant 7 : i32
    %dma_start3A_156 = arith.constant 0 : i32
    %dma_start3A_157 = arith.constant 0 : i32
    %dma_start3A_158 = tpu.memref_slice %arg7[%dma_start3A_155, %dma_start3A_156, %dma_start3A_157] : memref<32x8x128xf32, #tpu.memory_space<vmem>> -> memref<1x8x128xf32, #tpu.memory_space<vmem>>
    %dma_start3A_159 = tpu.memref_squeeze %dma_start3A_158 : memref<1x8x128xf32, #tpu.memory_space<vmem>> -> memref<8x128xf32, #tpu.memory_space<vmem>>
    %dma_start3A_160 = tpu.memref_slice %arg3[%add3A_147, %multiple_of3A_154] : memref<1024x100000xf32, #tpu.memory_space<hbm>> -> memref<8x128xf32, #tpu.memory_space<hbm>>
    tpu.enqueue_dma source(%dma_start3A_160 : memref<8x128xf32, #tpu.memory_space<hbm>>) target(%dma_start3A_159 : memref<8x128xf32, #tpu.memory_space<vmem>>) target_semaphore(%arg8 : memref<!tpu.dma_semaphore, #tpu.memory_space<semaphore_mem>>)
    %mul3A_161 = arith.constant 32 : i32
    %mul3A_162 = arith.muli %arg0, %mul3A_161 : i32
    %add3A_163 = arith.constant 8 : i32
    %add3A_164 = arith.addi %mul3A_162, %add3A_163 : i32
    %mul3A_165 = arith.constant 32 : i32
    %mul3A_166 = arith.muli %arg0, %mul3A_165 : i32
    %add3A_167 = arith.constant 8 : i32
    %add3A_168 = arith.addi %mul3A_166, %add3A_167 : i32
    %get3A_169 = arith.index_cast %add3A_164 : i32 to index
    %get3A_170 = memref.load %arg1[%get3A_169] : memref<1024xi32, #tpu.memory_space<smem>>
    %shift_right_arithmetic3A_171 = arith.constant 7 : i32
    %shift_right_arithmetic3A_172 = arith.shrsi %get3A_170, %shift_right_arithmetic3A_171 : i32
    %shift_left3A_173 = arith.constant 7 : i32
    %shift_left3A_174 = arith.shli %shift_right_arithmetic3A_172, %shift_left3A_173 : i32
    %multiple_of3A_175 = tpu.assume_multiple %shift_left3A_174, 128 : i32
    %dma_start3A_176 = arith.constant 8 : i32
    %dma_start3A_177 = arith.constant 0 : i32
    %dma_start3A_178 = arith.constant 0 : i32
    %dma_start3A_179 = tpu.memref_slice %arg7[%dma_start3A_176, %dma_start3A_177, %dma_start3A_178] : memref<32x8x128xf32, #tpu.memory_space<vmem>> -> memref<1x8x128xf32, #tpu.memory_space<vmem>>
    %dma_start3A_180 = tpu.memref_squeeze %dma_start3A_179 : memref<1x8x128xf32, #tpu.memory_space<vmem>> -> memref<8x128xf32, #tpu.memory_space<vmem>>
    %dma_start3A_181 = tpu.memref_slice %arg3[%add3A_168, %multiple_of3A_175] : memref<1024x100000xf32, #tpu.memory_space<hbm>> -> memref<8x128xf32, #tpu.memory_space<hbm>>
    tpu.enqueue_dma source(%dma_start3A_181 : memref<8x128xf32, #tpu.memory_space<hbm>>) target(%dma_start3A_180 : memref<8x128xf32, #tpu.memory_space<vmem>>) target_semaphore(%arg8 : memref<!tpu.dma_semaphore, #tpu.memory_space<semaphore_mem>>)
    %mul3A_182 = arith.constant 32 : i32
    %mul3A_183 = arith.muli %arg0, %mul3A_182 : i32
    %add3A_184 = arith.constant 9 : i32
    %add3A_185 = arith.addi %mul3A_183, %add3A_184 : i32
    %mul3A_186 = arith.constant 32 : i32
    %mul3A_187 = arith.muli %arg0, %mul3A_186 : i32
    %add3A_188 = arith.constant 8 : i32
    %add3A_189 = arith.addi %mul3A_187, %add3A_188 : i32
    %get3A_190 = arith.index_cast %add3A_185 : i32 to index
    %get3A_191 = memref.load %arg1[%get3A_190] : memref<1024xi32, #tpu.memory_space<smem>>
    %shift_right_arithmetic3A_192 = arith.constant 7 : i32
    %shift_right_arithmetic3A_193 = arith.shrsi %get3A_191, %shift_right_arithmetic3A_192 : i32
    %shift_left3A_194 = arith.constant 7 : i32
    %shift_left3A_195 = arith.shli %shift_right_arithmetic3A_193, %shift_left3A_194 : i32
    %multiple_of3A_196 = tpu.assume_multiple %shift_left3A_195, 128 : i32
    %dma_start3A_197 = arith.constant 9 : i32
    %dma_start3A_198 = arith.constant 0 : i32
    %dma_start3A_199 = arith.constant 0 : i32
    %dma_start3A_200 = tpu.memref_slice %arg7[%dma_start3A_197, %dma_start3A_198, %dma_start3A_199] : memref<32x8x128xf32, #tpu.memory_space<vmem>> -> memref<1x8x128xf32, #tpu.memory_space<vmem>>
    %dma_start3A_201 = tpu.memref_squeeze %dma_start3A_200 : memref<1x8x128xf32, #tpu.memory_space<vmem>> -> memref<8x128xf32, #tpu.memory_space<vmem>>
    %dma_start3A_202 = tpu.memref_slice %arg3[%add3A_189, %multiple_of3A_196] : memref<1024x100000xf32, #tpu.memory_space<hbm>> -> memref<8x128xf32, #tpu.memory_space<hbm>>
    tpu.enqueue_dma source(%dma_start3A_202 : memref<8x128xf32, #tpu.memory_space<hbm>>) target(%dma_start3A_201 : memref<8x128xf32, #tpu.memory_space<vmem>>) target_semaphore(%arg8 : memref<!tpu.dma_semaphore, #tpu.memory_space<semaphore_mem>>)
    %mul3A_203 = arith.constant 32 : i32
    %mul3A_204 = arith.muli %arg0, %mul3A_203 : i32
    %add3A_205 = arith.constant 10 : i32
    %add3A_206 = arith.addi %mul3A_204, %add3A_205 : i32
    %mul3A_207 = arith.constant 32 : i32
    %mul3A_208 = arith.muli %arg0, %mul3A_207 : i32
    %add3A_209 = arith.constant 8 : i32
    %add3A_210 = arith.addi %mul3A_208, %add3A_209 : i32
    %get3A_211 = arith.index_cast %add3A_206 : i32 to index
    %get3A_212 = memref.load %arg1[%get3A_211] : memref<1024xi32, #tpu.memory_space<smem>>
    %shift_right_arithmetic3A_213 = arith.constant 7 : i32
    %shift_right_arithmetic3A_214 = arith.shrsi %get3A_212, %shift_right_arithmetic3A_213 : i32
    %shift_left3A_215 = arith.constant 7 : i32
    %shift_left3A_216 = arith.shli %shift_right_arithmetic3A_214, %shift_left3A_215 : i32
    %multiple_of3A_217 = tpu.assume_multiple %shift_left3A_216, 128 : i32
    %dma_start3A_218 = arith.constant 10 : i32
    %dma_start3A_219 = arith.constant 0 : i32
    %dma_start3A_220 = arith.constant 0 : i32
    %dma_start3A_221 = tpu.memref_slice %arg7[%dma_start3A_218, %dma_start3A_219, %dma_start3A_220] : memref<32x8x128xf32, #tpu.memory_space<vmem>> -> memref<1x8x128xf32, #tpu.memory_space<vmem>>
    %dma_start3A_222 = tpu.memref_squeeze %dma_start3A_221 : memref<1x8x128xf32, #tpu.memory_space<vmem>> -> memref<8x128xf32, #tpu.memory_space<vmem>>
    %dma_start3A_223 = tpu.memref_slice %arg3[%add3A_210, %multiple_of3A_217] : memref<1024x100000xf32, #tpu.memory_space<hbm>> -> memref<8x128xf32, #tpu.memory_space<hbm>>
    tpu.enqueue_dma source(%dma_start3A_223 : memref<8x128xf32, #tpu.memory_space<hbm>>) target(%dma_start3A_222 : memref<8x128xf32, #tpu.memory_space<vmem>>) target_semaphore(%arg8 : memref<!tpu.dma_semaphore, #tpu.memory_space<semaphore_mem>>)
    %mul3A_224 = arith.constant 32 : i32
    %mul3A_225 = arith.muli %arg0, %mul3A_224 : i32
    %add3A_226 = arith.constant 11 : i32
    %add3A_227 = arith.addi %mul3A_225, %add3A_226 : i32
    %mul3A_228 = arith.constant 32 : i32
    %mul3A_229 = arith.muli %arg0, %mul3A_228 : i32
    %add3A_230 = arith.constant 8 : i32
    %add3A_231 = arith.addi %mul3A_229, %add3A_230 : i32
    %get3A_232 = arith.index_cast %add3A_227 : i32 to index
    %get3A_233 = memref.load %arg1[%get3A_232] : memref<1024xi32, #tpu.memory_space<smem>>
    %shift_right_arithmetic3A_234 = arith.constant 7 : i32
    %shift_right_arithmetic3A_235 = arith.shrsi %get3A_233, %shift_right_arithmetic3A_234 : i32
    %shift_left3A_236 = arith.constant 7 : i32
    %shift_left3A_237 = arith.shli %shift_right_arithmetic3A_235, %shift_left3A_236 : i32
    %multiple_of3A_238 = tpu.assume_multiple %shift_left3A_237, 128 : i32
    %dma_start3A_239 = arith.constant 11 : i32
    %dma_start3A_240 = arith.constant 0 : i32
    %dma_start3A_241 = arith.constant 0 : i32
    %dma_start3A_242 = tpu.memref_slice %arg7[%dma_start3A_239, %dma_start3A_240, %dma_start3A_241] : memref<32x8x128xf32, #tpu.memory_space<vmem>> -> memref<1x8x128xf32, #tpu.memory_space<vmem>>
    %dma_start3A_243 = tpu.memref_squeeze %dma_start3A_242 : memref<1x8x128xf32, #tpu.memory_space<vmem>> -> memref<8x128xf32, #tpu.memory_space<vmem>>
    %dma_start3A_244 = tpu.memref_slice %arg3[%add3A_231, %multiple_of3A_238] : memref<1024x100000xf32, #tpu.memory_space<hbm>> -> memref<8x128xf32, #tpu.memory_space<hbm>>
    tpu.enqueue_dma source(%dma_start3A_244 : memref<8x128xf32, #tpu.memory_space<hbm>>) target(%dma_start3A_243 : memref<8x128xf32, #tpu.memory_space<vmem>>) target_semaphore(%arg8 : memref<!tpu.dma_semaphore, #tpu.memory_space<semaphore_mem>>)
    %mul3A_245 = arith.constant 32 : i32
    %mul3A_246 = arith.muli %arg0, %mul3A_245 : i32
    %add3A_247 = arith.constant 12 : i32
    %add3A_248 = arith.addi %mul3A_246, %add3A_247 : i32
    %mul3A_249 = arith.constant 32 : i32
    %mul3A_250 = arith.muli %arg0, %mul3A_249 : i32
    %add3A_251 = arith.constant 8 : i32
    %add3A_252 = arith.addi %mul3A_250, %add3A_251 : i32
    %get3A_253 = arith.index_cast %add3A_248 : i32 to index
    %get3A_254 = memref.load %arg1[%get3A_253] : memref<1024xi32, #tpu.memory_space<smem>>
    %shift_right_arithmetic3A_255 = arith.constant 7 : i32
    %shift_right_arithmetic3A_256 = arith.shrsi %get3A_254, %shift_right_arithmetic3A_255 : i32
    %shift_left3A_257 = arith.constant 7 : i32
    %shift_left3A_258 = arith.shli %shift_right_arithmetic3A_256, %shift_left3A_257 : i32
    %multiple_of3A_259 = tpu.assume_multiple %shift_left3A_258, 128 : i32
    %dma_start3A_260 = arith.constant 12 : i32
    %dma_start3A_261 = arith.constant 0 : i32
    %dma_start3A_262 = arith.constant 0 : i32
    %dma_start3A_263 = tpu.memref_slice %arg7[%dma_start3A_260, %dma_start3A_261, %dma_start3A_262] : memref<32x8x128xf32, #tpu.memory_space<vmem>> -> memref<1x8x128xf32, #tpu.memory_space<vmem>>
    %dma_start3A_264 = tpu.memref_squeeze %dma_start3A_263 : memref<1x8x128xf32, #tpu.memory_space<vmem>> -> memref<8x128xf32, #tpu.memory_space<vmem>>
    %dma_start3A_265 = tpu.memref_slice %arg3[%add3A_252, %multiple_of3A_259] : memref<1024x100000xf32, #tpu.memory_space<hbm>> -> memref<8x128xf32, #tpu.memory_space<hbm>>
    tpu.enqueue_dma source(%dma_start3A_265 : memref<8x128xf32, #tpu.memory_space<hbm>>) target(%dma_start3A_264 : memref<8x128xf32, #tpu.memory_space<vmem>>) target_semaphore(%arg8 : memref<!tpu.dma_semaphore, #tpu.memory_space<semaphore_mem>>)
    %mul3A_266 = arith.constant 32 : i32
    %mul3A_267 = arith.muli %arg0, %mul3A_266 : i32
    %add3A_268 = arith.constant 13 : i32
    %add3A_269 = arith.addi %mul3A_267, %add3A_268 : i32
    %mul3A_270 = arith.constant 32 : i32
    %mul3A_271 = arith.muli %arg0, %mul3A_270 : i32
    %add3A_272 = arith.constant 8 : i32
    %add3A_273 = arith.addi %mul3A_271, %add3A_272 : i32
    %get3A_274 = arith.index_cast %add3A_269 : i32 to index
    %get3A_275 = memref.load %arg1[%get3A_274] : memref<1024xi32, #tpu.memory_space<smem>>
    %shift_right_arithmetic3A_276 = arith.constant 7 : i32
    %shift_right_arithmetic3A_277 = arith.shrsi %get3A_275, %shift_right_arithmetic3A_276 : i32
    %shift_left3A_278 = arith.constant 7 : i32
    %shift_left3A_279 = arith.shli %shift_right_arithmetic3A_277, %shift_left3A_278 : i32
    %multiple_of3A_280 = tpu.assume_multiple %shift_left3A_279, 128 : i32
    %dma_start3A_281 = arith.constant 13 : i32
    %dma_start3A_282 = arith.constant 0 : i32
    %dma_start3A_283 = arith.constant 0 : i32
    %dma_start3A_284 = tpu.memref_slice %arg7[%dma_start3A_281, %dma_start3A_282, %dma_start3A_283] : memref<32x8x128xf32, #tpu.memory_space<vmem>> -> memref<1x8x128xf32, #tpu.memory_space<vmem>>
    %dma_start3A_285 = tpu.memref_squeeze %dma_start3A_284 : memref<1x8x128xf32, #tpu.memory_space<vmem>> -> memref<8x128xf32, #tpu.memory_space<vmem>>
    %dma_start3A_286 = tpu.memref_slice %arg3[%add3A_273, %multiple_of3A_280] : memref<1024x100000xf32, #tpu.memory_space<hbm>> -> memref<8x128xf32, #tpu.memory_space<hbm>>
    tpu.enqueue_dma source(%dma_start3A_286 : memref<8x128xf32, #tpu.memory_space<hbm>>) target(%dma_start3A_285 : memref<8x128xf32, #tpu.memory_space<vmem>>) target_semaphore(%arg8 : memref<!tpu.dma_semaphore, #tpu.memory_space<semaphore_mem>>)
    %mul3A_287 = arith.constant 32 : i32
    %mul3A_288 = arith.muli %arg0, %mul3A_287 : i32
    %add3A_289 = arith.constant 14 : i32
    %add3A_290 = arith.addi %mul3A_288, %add3A_289 : i32
    %mul3A_291 = arith.constant 32 : i32
    %mul3A_292 = arith.muli %arg0, %mul3A_291 : i32
    %add3A_293 = arith.constant 8 : i32
    %add3A_294 = arith.addi %mul3A_292, %add3A_293 : i32
    %get3A_295 = arith.index_cast %add3A_290 : i32 to index
    %get3A_296 = memref.load %arg1[%get3A_295] : memref<1024xi32, #tpu.memory_space<smem>>
    %shift_right_arithmetic3A_297 = arith.constant 7 : i32
    %shift_right_arithmetic3A_298 = arith.shrsi %get3A_296, %shift_right_arithmetic3A_297 : i32
    %shift_left3A_299 = arith.constant 7 : i32
    %shift_left3A_300 = arith.shli %shift_right_arithmetic3A_298, %shift_left3A_299 : i32
    %multiple_of3A_301 = tpu.assume_multiple %shift_left3A_300, 128 : i32
    %dma_start3A_302 = arith.constant 14 : i32
    %dma_start3A_303 = arith.constant 0 : i32
    %dma_start3A_304 = arith.constant 0 : i32
    %dma_start3A_305 = tpu.memref_slice %arg7[%dma_start3A_302, %dma_start3A_303, %dma_start3A_304] : memref<32x8x128xf32, #tpu.memory_space<vmem>> -> memref<1x8x128xf32, #tpu.memory_space<vmem>>
    %dma_start3A_306 = tpu.memref_squeeze %dma_start3A_305 : memref<1x8x128xf32, #tpu.memory_space<vmem>> -> memref<8x128xf32, #tpu.memory_space<vmem>>
    %dma_start3A_307 = tpu.memref_slice %arg3[%add3A_294, %multiple_of3A_301] : memref<1024x100000xf32, #tpu.memory_space<hbm>> -> memref<8x128xf32, #tpu.memory_space<hbm>>
    tpu.enqueue_dma source(%dma_start3A_307 : memref<8x128xf32, #tpu.memory_space<hbm>>) target(%dma_start3A_306 : memref<8x128xf32, #tpu.memory_space<vmem>>) target_semaphore(%arg8 : memref<!tpu.dma_semaphore, #tpu.memory_space<semaphore_mem>>)
    %mul3A_308 = arith.constant 32 : i32
    %mul3A_309 = arith.muli %arg0, %mul3A_308 : i32
    %add3A_310 = arith.constant 15 : i32
    %add3A_311 = arith.addi %mul3A_309, %add3A_310 : i32
    %mul3A_312 = arith.constant 32 : i32
    %mul3A_313 = arith.muli %arg0, %mul3A_312 : i32
    %add3A_314 = arith.constant 8 : i32
    %add3A_315 = arith.addi %mul3A_313, %add3A_314 : i32
    %get3A_316 = arith.index_cast %add3A_311 : i32 to index
    %get3A_317 = memref.load %arg1[%get3A_316] : memref<1024xi32, #tpu.memory_space<smem>>
    %shift_right_arithmetic3A_318 = arith.constant 7 : i32
    %shift_right_arithmetic3A_319 = arith.shrsi %get3A_317, %shift_right_arithmetic3A_318 : i32
    %shift_left3A_320 = arith.constant 7 : i32
    %shift_left3A_321 = arith.shli %shift_right_arithmetic3A_319, %shift_left3A_320 : i32
    %multiple_of3A_322 = tpu.assume_multiple %shift_left3A_321, 128 : i32
    %dma_start3A_323 = arith.constant 15 : i32
    %dma_start3A_324 = arith.constant 0 : i32
    %dma_start3A_325 = arith.constant 0 : i32
    %dma_start3A_326 = tpu.memref_slice %arg7[%dma_start3A_323, %dma_start3A_324, %dma_start3A_325] : memref<32x8x128xf32, #tpu.memory_space<vmem>> -> memref<1x8x128xf32, #tpu.memory_space<vmem>>
    %dma_start3A_327 = tpu.memref_squeeze %dma_start3A_326 : memref<1x8x128xf32, #tpu.memory_space<vmem>> -> memref<8x128xf32, #tpu.memory_space<vmem>>
    %dma_start3A_328 = tpu.memref_slice %arg3[%add3A_315, %multiple_of3A_322] : memref<1024x100000xf32, #tpu.memory_space<hbm>> -> memref<8x128xf32, #tpu.memory_space<hbm>>
    tpu.enqueue_dma source(%dma_start3A_328 : memref<8x128xf32, #tpu.memory_space<hbm>>) target(%dma_start3A_327 : memref<8x128xf32, #tpu.memory_space<vmem>>) target_semaphore(%arg8 : memref<!tpu.dma_semaphore, #tpu.memory_space<semaphore_mem>>)
    %mul3A_329 = arith.constant 32 : i32
    %mul3A_330 = arith.muli %arg0, %mul3A_329 : i32
    %add3A_331 = arith.constant 16 : i32
    %add3A_332 = arith.addi %mul3A_330, %add3A_331 : i32
    %mul3A_333 = arith.constant 32 : i32
    %mul3A_334 = arith.muli %arg0, %mul3A_333 : i32
    %add3A_335 = arith.constant 16 : i32
    %add3A_336 = arith.addi %mul3A_334, %add3A_335 : i32
    %get3A_337 = arith.index_cast %add3A_332 : i32 to index
    %get3A_338 = memref.load %arg1[%get3A_337] : memref<1024xi32, #tpu.memory_space<smem>>
    %shift_right_arithmetic3A_339 = arith.constant 7 : i32
    %shift_right_arithmetic3A_340 = arith.shrsi %get3A_338, %shift_right_arithmetic3A_339 : i32
    %shift_left3A_341 = arith.constant 7 : i32
    %shift_left3A_342 = arith.shli %shift_right_arithmetic3A_340, %shift_left3A_341 : i32
    %multiple_of3A_343 = tpu.assume_multiple %shift_left3A_342, 128 : i32
    %dma_start3A_344 = arith.constant 16 : i32
    %dma_start3A_345 = arith.constant 0 : i32
    %dma_start3A_346 = arith.constant 0 : i32
    %dma_start3A_347 = tpu.memref_slice %arg7[%dma_start3A_344, %dma_start3A_345, %dma_start3A_346] : memref<32x8x128xf32, #tpu.memory_space<vmem>> -> memref<1x8x128xf32, #tpu.memory_space<vmem>>
    %dma_start3A_348 = tpu.memref_squeeze %dma_start3A_347 : memref<1x8x128xf32, #tpu.memory_space<vmem>> -> memref<8x128xf32, #tpu.memory_space<vmem>>
    %dma_start3A_349 = tpu.memref_slice %arg3[%add3A_336, %multiple_of3A_343] : memref<1024x100000xf32, #tpu.memory_space<hbm>> -> memref<8x128xf32, #tpu.memory_space<hbm>>
    tpu.enqueue_dma source(%dma_start3A_349 : memref<8x128xf32, #tpu.memory_space<hbm>>) target(%dma_start3A_348 : memref<8x128xf32, #tpu.memory_space<vmem>>) target_semaphore(%arg8 : memref<!tpu.dma_semaphore, #tpu.memory_space<semaphore_mem>>)
    %mul3A_350 = arith.constant 32 : i32
    %mul3A_351 = arith.muli %arg0, %mul3A_350 : i32
    %add3A_352 = arith.constant 17 : i32
    %add3A_353 = arith.addi %mul3A_351, %add3A_352 : i32
    %mul3A_354 = arith.constant 32 : i32
    %mul3A_355 = arith.muli %arg0, %mul3A_354 : i32
    %add3A_356 = arith.constant 16 : i32
    %add3A_357 = arith.addi %mul3A_355, %add3A_356 : i32
    %get3A_358 = arith.index_cast %add3A_353 : i32 to index
    %get3A_359 = memref.load %arg1[%get3A_358] : memref<1024xi32, #tpu.memory_space<smem>>
    %shift_right_arithmetic3A_360 = arith.constant 7 : i32
    %shift_right_arithmetic3A_361 = arith.shrsi %get3A_359, %shift_right_arithmetic3A_360 : i32
    %shift_left3A_362 = arith.constant 7 : i32
    %shift_left3A_363 = arith.shli %shift_right_arithmetic3A_361, %shift_left3A_362 : i32
    %multiple_of3A_364 = tpu.assume_multiple %shift_left3A_363, 128 : i32
    %dma_start3A_365 = arith.constant 17 : i32
    %dma_start3A_366 = arith.constant 0 : i32
    %dma_start3A_367 = arith.constant 0 : i32
    %dma_start3A_368 = tpu.memref_slice %arg7[%dma_start3A_365, %dma_start3A_366, %dma_start3A_367] : memref<32x8x128xf32, #tpu.memory_space<vmem>> -> memref<1x8x128xf32, #tpu.memory_space<vmem>>
    %dma_start3A_369 = tpu.memref_squeeze %dma_start3A_368 : memref<1x8x128xf32, #tpu.memory_space<vmem>> -> memref<8x128xf32, #tpu.memory_space<vmem>>
    %dma_start3A_370 = tpu.memref_slice %arg3[%add3A_357, %multiple_of3A_364] : memref<1024x100000xf32, #tpu.memory_space<hbm>> -> memref<8x128xf32, #tpu.memory_space<hbm>>
    tpu.enqueue_dma source(%dma_start3A_370 : memref<8x128xf32, #tpu.memory_space<hbm>>) target(%dma_start3A_369 : memref<8x128xf32, #tpu.memory_space<vmem>>) target_semaphore(%arg8 : memref<!tpu.dma_semaphore, #tpu.memory_space<semaphore_mem>>)
    %mul3A_371 = arith.constant 32 : i32
    %mul3A_372 = arith.muli %arg0, %mul3A_371 : i32
    %add3A_373 = arith.constant 18 : i32
    %add3A_374 = arith.addi %mul3A_372, %add3A_373 : i32
    %mul3A_375 = arith.constant 32 : i32
    %mul3A_376 = arith.muli %arg0, %mul3A_375 : i32
    %add3A_377 = arith.constant 16 : i32
    %add3A_378 = arith.addi %mul3A_376, %add3A_377 : i32
    %get3A_379 = arith.index_cast %add3A_374 : i32 to index
    %get3A_380 = memref.load %arg1[%get3A_379] : memref<1024xi32, #tpu.memory_space<smem>>
    %shift_right_arithmetic3A_381 = arith.constant 7 : i32
    %shift_right_arithmetic3A_382 = arith.shrsi %get3A_380, %shift_right_arithmetic3A_381 : i32
    %shift_left3A_383 = arith.constant 7 : i32
    %shift_left3A_384 = arith.shli %shift_right_arithmetic3A_382, %shift_left3A_383 : i32
    %multiple_of3A_385 = tpu.assume_multiple %shift_left3A_384, 128 : i32
    %dma_start3A_386 = arith.constant 18 : i32
    %dma_start3A_387 = arith.constant 0 : i32
    %dma_start3A_388 = arith.constant 0 : i32
    %dma_start3A_389 = tpu.memref_slice %arg7[%dma_start3A_386, %dma_start3A_387, %dma_start3A_388] : memref<32x8x128xf32, #tpu.memory_space<vmem>> -> memref<1x8x128xf32, #tpu.memory_space<vmem>>
    %dma_start3A_390 = tpu.memref_squeeze %dma_start3A_389 : memref<1x8x128xf32, #tpu.memory_space<vmem>> -> memref<8x128xf32, #tpu.memory_space<vmem>>
    %dma_start3A_391 = tpu.memref_slice %arg3[%add3A_378, %multiple_of3A_385] : memref<1024x100000xf32, #tpu.memory_space<hbm>> -> memref<8x128xf32, #tpu.memory_space<hbm>>
    tpu.enqueue_dma source(%dma_start3A_391 : memref<8x128xf32, #tpu.memory_space<hbm>>) target(%dma_start3A_390 : memref<8x128xf32, #tpu.memory_space<vmem>>) target_semaphore(%arg8 : memref<!tpu.dma_semaphore, #tpu.memory_space<semaphore_mem>>)
    %mul3A_392 = arith.constant 32 : i32
    %mul3A_393 = arith.muli %arg0, %mul3A_392 : i32
    %add3A_394 = arith.constant 19 : i32
    %add3A_395 = arith.addi %mul3A_393, %add3A_394 : i32
    %mul3A_396 = arith.constant 32 : i32
    %mul3A_397 = arith.muli %arg0, %mul3A_396 : i32
    %add3A_398 = arith.constant 16 : i32
    %add3A_399 = arith.addi %mul3A_397, %add3A_398 : i32
    %get3A_400 = arith.index_cast %add3A_395 : i32 to index
    %get3A_401 = memref.load %arg1[%get3A_400] : memref<1024xi32, #tpu.memory_space<smem>>
    %shift_right_arithmetic3A_402 = arith.constant 7 : i32
    %shift_right_arithmetic3A_403 = arith.shrsi %get3A_401, %shift_right_arithmetic3A_402 : i32
    %shift_left3A_404 = arith.constant 7 : i32
    %shift_left3A_405 = arith.shli %shift_right_arithmetic3A_403, %shift_left3A_404 : i32
    %multiple_of3A_406 = tpu.assume_multiple %shift_left3A_405, 128 : i32
    %dma_start3A_407 = arith.constant 19 : i32
    %dma_start3A_408 = arith.constant 0 : i32
    %dma_start3A_409 = arith.constant 0 : i32
    %dma_start3A_410 = tpu.memref_slice %arg7[%dma_start3A_407, %dma_start3A_408, %dma_start3A_409] : memref<32x8x128xf32, #tpu.memory_space<vmem>> -> memref<1x8x128xf32, #tpu.memory_space<vmem>>
    %dma_start3A_411 = tpu.memref_squeeze %dma_start3A_410 : memref<1x8x128xf32, #tpu.memory_space<vmem>> -> memref<8x128xf32, #tpu.memory_space<vmem>>
    %dma_start3A_412 = tpu.memref_slice %arg3[%add3A_399, %multiple_of3A_406] : memref<1024x100000xf32, #tpu.memory_space<hbm>> -> memref<8x128xf32, #tpu.memory_space<hbm>>
    tpu.enqueue_dma source(%dma_start3A_412 : memref<8x128xf32, #tpu.memory_space<hbm>>) target(%dma_start3A_411 : memref<8x128xf32, #tpu.memory_space<vmem>>) target_semaphore(%arg8 : memref<!tpu.dma_semaphore, #tpu.memory_space<semaphore_mem>>)
    %mul3A_413 = arith.constant 32 : i32
    %mul3A_414 = arith.muli %arg0, %mul3A_413 : i32
    %add3A_415 = arith.constant 20 : i32
    %add3A_416 = arith.addi %mul3A_414, %add3A_415 : i32
    %mul3A_417 = arith.constant 32 : i32
    %mul3A_418 = arith.muli %arg0, %mul3A_417 : i32
    %add3A_419 = arith.constant 16 : i32
    %add3A_420 = arith.addi %mul3A_418, %add3A_419 : i32
    %get3A_421 = arith.index_cast %add3A_416 : i32 to index
    %get3A_422 = memref.load %arg1[%get3A_421] : memref<1024xi32, #tpu.memory_space<smem>>
    %shift_right_arithmetic3A_423 = arith.constant 7 : i32
    %shift_right_arithmetic3A_424 = arith.shrsi %get3A_422, %shift_right_arithmetic3A_423 : i32
    %shift_left3A_425 = arith.constant 7 : i32
    %shift_left3A_426 = arith.shli %shift_right_arithmetic3A_424, %shift_left3A_425 : i32
    %multiple_of3A_427 = tpu.assume_multiple %shift_left3A_426, 128 : i32
    %dma_start3A_428 = arith.constant 20 : i32
    %dma_start3A_429 = arith.constant 0 : i32
    %dma_start3A_430 = arith.constant 0 : i32
    %dma_start3A_431 = tpu.memref_slice %arg7[%dma_start3A_428, %dma_start3A_429, %dma_start3A_430] : memref<32x8x128xf32, #tpu.memory_space<vmem>> -> memref<1x8x128xf32, #tpu.memory_space<vmem>>
    %dma_start3A_432 = tpu.memref_squeeze %dma_start3A_431 : memref<1x8x128xf32, #tpu.memory_space<vmem>> -> memref<8x128xf32, #tpu.memory_space<vmem>>
    %dma_start3A_433 = tpu.memref_slice %arg3[%add3A_420, %multiple_of3A_427] : memref<1024x100000xf32, #tpu.memory_space<hbm>> -> memref<8x128xf32, #tpu.memory_space<hbm>>
    tpu.enqueue_dma source(%dma_start3A_433 : memref<8x128xf32, #tpu.memory_space<hbm>>) target(%dma_start3A_432 : memref<8x128xf32, #tpu.memory_space<vmem>>) target_semaphore(%arg8 : memref<!tpu.dma_semaphore, #tpu.memory_space<semaphore_mem>>)
    %mul3A_434 = arith.constant 32 : i32
    %mul3A_435 = arith.muli %arg0, %mul3A_434 : i32
    %add3A_436 = arith.constant 21 : i32
    %add3A_437 = arith.addi %mul3A_435, %add3A_436 : i32
    %mul3A_438 = arith.constant 32 : i32
    %mul3A_439 = arith.muli %arg0, %mul3A_438 : i32
    %add3A_440 = arith.constant 16 : i32
    %add3A_441 = arith.addi %mul3A_439, %add3A_440 : i32
    %get3A_442 = arith.index_cast %add3A_437 : i32 to index
    %get3A_443 = memref.load %arg1[%get3A_442] : memref<1024xi32, #tpu.memory_space<smem>>
    %shift_right_arithmetic3A_444 = arith.constant 7 : i32
    %shift_right_arithmetic3A_445 = arith.shrsi %get3A_443, %shift_right_arithmetic3A_444 : i32
    %shift_left3A_446 = arith.constant 7 : i32
    %shift_left3A_447 = arith.shli %shift_right_arithmetic3A_445, %shift_left3A_446 : i32
    %multiple_of3A_448 = tpu.assume_multiple %shift_left3A_447, 128 : i32
    %dma_start3A_449 = arith.constant 21 : i32
    %dma_start3A_450 = arith.constant 0 : i32
    %dma_start3A_451 = arith.constant 0 : i32
    %dma_start3A_452 = tpu.memref_slice %arg7[%dma_start3A_449, %dma_start3A_450, %dma_start3A_451] : memref<32x8x128xf32, #tpu.memory_space<vmem>> -> memref<1x8x128xf32, #tpu.memory_space<vmem>>
    %dma_start3A_453 = tpu.memref_squeeze %dma_start3A_452 : memref<1x8x128xf32, #tpu.memory_space<vmem>> -> memref<8x128xf32, #tpu.memory_space<vmem>>
    %dma_start3A_454 = tpu.memref_slice %arg3[%add3A_441, %multiple_of3A_448] : memref<1024x100000xf32, #tpu.memory_space<hbm>> -> memref<8x128xf32, #tpu.memory_space<hbm>>
    tpu.enqueue_dma source(%dma_start3A_454 : memref<8x128xf32, #tpu.memory_space<hbm>>) target(%dma_start3A_453 : memref<8x128xf32, #tpu.memory_space<vmem>>) target_semaphore(%arg8 : memref<!tpu.dma_semaphore, #tpu.memory_space<semaphore_mem>>)
    %mul3A_455 = arith.constant 32 : i32
    %mul3A_456 = arith.muli %arg0, %mul3A_455 : i32
    %add3A_457 = arith.constant 22 : i32
    %add3A_458 = arith.addi %mul3A_456, %add3A_457 : i32
    %mul3A_459 = arith.constant 32 : i32
    %mul3A_460 = arith.muli %arg0, %mul3A_459 : i32
    %add3A_461 = arith.constant 16 : i32
    %add3A_462 = arith.addi %mul3A_460, %add3A_461 : i32
    %get3A_463 = arith.index_cast %add3A_458 : i32 to index
    %get3A_464 = memref.load %arg1[%get3A_463] : memref<1024xi32, #tpu.memory_space<smem>>
    %shift_right_arithmetic3A_465 = arith.constant 7 : i32
    %shift_right_arithmetic3A_466 = arith.shrsi %get3A_464, %shift_right_arithmetic3A_465 : i32
    %shift_left3A_467 = arith.constant 7 : i32
    %shift_left3A_468 = arith.shli %shift_right_arithmetic3A_466, %shift_left3A_467 : i32
    %multiple_of3A_469 = tpu.assume_multiple %shift_left3A_468, 128 : i32
    %dma_start3A_470 = arith.constant 22 : i32
    %dma_start3A_471 = arith.constant 0 : i32
    %dma_start3A_472 = arith.constant 0 : i32
    %dma_start3A_473 = tpu.memref_slice %arg7[%dma_start3A_470, %dma_start3A_471, %dma_start3A_472] : memref<32x8x128xf32, #tpu.memory_space<vmem>> -> memref<1x8x128xf32, #tpu.memory_space<vmem>>
    %dma_start3A_474 = tpu.memref_squeeze %dma_start3A_473 : memref<1x8x128xf32, #tpu.memory_space<vmem>> -> memref<8x128xf32, #tpu.memory_space<vmem>>
    %dma_start3A_475 = tpu.memref_slice %arg3[%add3A_462, %multiple_of3A_469] : memref<1024x100000xf32, #tpu.memory_space<hbm>> -> memref<8x128xf32, #tpu.memory_space<hbm>>
    tpu.enqueue_dma source(%dma_start3A_475 : memref<8x128xf32, #tpu.memory_space<hbm>>) target(%dma_start3A_474 : memref<8x128xf32, #tpu.memory_space<vmem>>) target_semaphore(%arg8 : memref<!tpu.dma_semaphore, #tpu.memory_space<semaphore_mem>>)
    %mul3A_476 = arith.constant 32 : i32
    %mul3A_477 = arith.muli %arg0, %mul3A_476 : i32
    %add3A_478 = arith.constant 23 : i32
    %add3A_479 = arith.addi %mul3A_477, %add3A_478 : i32
    %mul3A_480 = arith.constant 32 : i32
    %mul3A_481 = arith.muli %arg0, %mul3A_480 : i32
    %add3A_482 = arith.constant 16 : i32
    %add3A_483 = arith.addi %mul3A_481, %add3A_482 : i32
    %get3A_484 = arith.index_cast %add3A_479 : i32 to index
    %get3A_485 = memref.load %arg1[%get3A_484] : memref<1024xi32, #tpu.memory_space<smem>>
    %shift_right_arithmetic3A_486 = arith.constant 7 : i32
    %shift_right_arithmetic3A_487 = arith.shrsi %get3A_485, %shift_right_arithmetic3A_486 : i32
    %shift_left3A_488 = arith.constant 7 : i32
    %shift_left3A_489 = arith.shli %shift_right_arithmetic3A_487, %shift_left3A_488 : i32
    %multiple_of3A_490 = tpu.assume_multiple %shift_left3A_489, 128 : i32
    %dma_start3A_491 = arith.constant 23 : i32
    %dma_start3A_492 = arith.constant 0 : i32
    %dma_start3A_493 = arith.constant 0 : i32
    %dma_start3A_494 = tpu.memref_slice %arg7[%dma_start3A_491, %dma_start3A_492, %dma_start3A_493] : memref<32x8x128xf32, #tpu.memory_space<vmem>> -> memref<1x8x128xf32, #tpu.memory_space<vmem>>
    %dma_start3A_495 = tpu.memref_squeeze %dma_start3A_494 : memref<1x8x128xf32, #tpu.memory_space<vmem>> -> memref<8x128xf32, #tpu.memory_space<vmem>>
    %dma_start3A_496 = tpu.memref_slice %arg3[%add3A_483, %multiple_of3A_490] : memref<1024x100000xf32, #tpu.memory_space<hbm>> -> memref<8x128xf32, #tpu.memory_space<hbm>>
    tpu.enqueue_dma source(%dma_start3A_496 : memref<8x128xf32, #tpu.memory_space<hbm>>) target(%dma_start3A_495 : memref<8x128xf32, #tpu.memory_space<vmem>>) target_semaphore(%arg8 : memref<!tpu.dma_semaphore, #tpu.memory_space<semaphore_mem>>)
    %mul3A_497 = arith.constant 32 : i32
    %mul3A_498 = arith.muli %arg0, %mul3A_497 : i32
    %add3A_499 = arith.constant 24 : i32
    %add3A_500 = arith.addi %mul3A_498, %add3A_499 : i32
    %mul3A_501 = arith.constant 32 : i32
    %mul3A_502 = arith.muli %arg0, %mul3A_501 : i32
    %add3A_503 = arith.constant 24 : i32
    %add3A_504 = arith.addi %mul3A_502, %add3A_503 : i32
    %get3A_505 = arith.index_cast %add3A_500 : i32 to index
    %get3A_506 = memref.load %arg1[%get3A_505] : memref<1024xi32, #tpu.memory_space<smem>>
    %shift_right_arithmetic3A_507 = arith.constant 7 : i32
    %shift_right_arithmetic3A_508 = arith.shrsi %get3A_506, %shift_right_arithmetic3A_507 : i32
    %shift_left3A_509 = arith.constant 7 : i32
    %shift_left3A_510 = arith.shli %shift_right_arithmetic3A_508, %shift_left3A_509 : i32
    %multiple_of3A_511 = tpu.assume_multiple %shift_left3A_510, 128 : i32
    %dma_start3A_512 = arith.constant 24 : i32
    %dma_start3A_513 = arith.constant 0 : i32
    %dma_start3A_514 = arith.constant 0 : i32
    %dma_start3A_515 = tpu.memref_slice %arg7[%dma_start3A_512, %dma_start3A_513, %dma_start3A_514] : memref<32x8x128xf32, #tpu.memory_space<vmem>> -> memref<1x8x128xf32, #tpu.memory_space<vmem>>
    %dma_start3A_516 = tpu.memref_squeeze %dma_start3A_515 : memref<1x8x128xf32, #tpu.memory_space<vmem>> -> memref<8x128xf32, #tpu.memory_space<vmem>>
    %dma_start3A_517 = tpu.memref_slice %arg3[%add3A_504, %multiple_of3A_511] : memref<1024x100000xf32, #tpu.memory_space<hbm>> -> memref<8x128xf32, #tpu.memory_space<hbm>>
    tpu.enqueue_dma source(%dma_start3A_517 : memref<8x128xf32, #tpu.memory_space<hbm>>) target(%dma_start3A_516 : memref<8x128xf32, #tpu.memory_space<vmem>>) target_semaphore(%arg8 : memref<!tpu.dma_semaphore, #tpu.memory_space<semaphore_mem>>)
    %mul3A_518 = arith.constant 32 : i32
    %mul3A_519 = arith.muli %arg0, %mul3A_518 : i32
    %add3A_520 = arith.constant 25 : i32
    %add3A_521 = arith.addi %mul3A_519, %add3A_520 : i32
    %mul3A_522 = arith.constant 32 : i32
    %mul3A_523 = arith.muli %arg0, %mul3A_522 : i32
    %add3A_524 = arith.constant 24 : i32
    %add3A_525 = arith.addi %mul3A_523, %add3A_524 : i32
    %get3A_526 = arith.index_cast %add3A_521 : i32 to index
    %get3A_527 = memref.load %arg1[%get3A_526] : memref<1024xi32, #tpu.memory_space<smem>>
    %shift_right_arithmetic3A_528 = arith.constant 7 : i32
    %shift_right_arithmetic3A_529 = arith.shrsi %get3A_527, %shift_right_arithmetic3A_528 : i32
    %shift_left3A_530 = arith.constant 7 : i32
    %shift_left3A_531 = arith.shli %shift_right_arithmetic3A_529, %shift_left3A_530 : i32
    %multiple_of3A_532 = tpu.assume_multiple %shift_left3A_531, 128 : i32
    %dma_start3A_533 = arith.constant 25 : i32
    %dma_start3A_534 = arith.constant 0 : i32
    %dma_start3A_535 = arith.constant 0 : i32
    %dma_start3A_536 = tpu.memref_slice %arg7[%dma_start3A_533, %dma_start3A_534, %dma_start3A_535] : memref<32x8x128xf32, #tpu.memory_space<vmem>> -> memref<1x8x128xf32, #tpu.memory_space<vmem>>
    %dma_start3A_537 = tpu.memref_squeeze %dma_start3A_536 : memref<1x8x128xf32, #tpu.memory_space<vmem>> -> memref<8x128xf32, #tpu.memory_space<vmem>>
    %dma_start3A_538 = tpu.memref_slice %arg3[%add3A_525, %multiple_of3A_532] : memref<1024x100000xf32, #tpu.memory_space<hbm>> -> memref<8x128xf32, #tpu.memory_space<hbm>>
    tpu.enqueue_dma source(%dma_start3A_538 : memref<8x128xf32, #tpu.memory_space<hbm>>) target(%dma_start3A_537 : memref<8x128xf32, #tpu.memory_space<vmem>>) target_semaphore(%arg8 : memref<!tpu.dma_semaphore, #tpu.memory_space<semaphore_mem>>)
    %mul3A_539 = arith.constant 32 : i32
    %mul3A_540 = arith.muli %arg0, %mul3A_539 : i32
    %add3A_541 = arith.constant 26 : i32
    %add3A_542 = arith.addi %mul3A_540, %add3A_541 : i32
    %mul3A_543 = arith.constant 32 : i32
    %mul3A_544 = arith.muli %arg0, %mul3A_543 : i32
    %add3A_545 = arith.constant 24 : i32
    %add3A_546 = arith.addi %mul3A_544, %add3A_545 : i32
    %get3A_547 = arith.index_cast %add3A_542 : i32 to index
    %get3A_548 = memref.load %arg1[%get3A_547] : memref<1024xi32, #tpu.memory_space<smem>>
    %shift_right_arithmetic3A_549 = arith.constant 7 : i32
    %shift_right_arithmetic3A_550 = arith.shrsi %get3A_548, %shift_right_arithmetic3A_549 : i32
    %shift_left3A_551 = arith.constant 7 : i32
    %shift_left3A_552 = arith.shli %shift_right_arithmetic3A_550, %shift_left3A_551 : i32
    %multiple_of3A_553 = tpu.assume_multiple %shift_left3A_552, 128 : i32
    %dma_start3A_554 = arith.constant 26 : i32
    %dma_start3A_555 = arith.constant 0 : i32
    %dma_start3A_556 = arith.constant 0 : i32
    %dma_start3A_557 = tpu.memref_slice %arg7[%dma_start3A_554, %dma_start3A_555, %dma_start3A_556] : memref<32x8x128xf32, #tpu.memory_space<vmem>> -> memref<1x8x128xf32, #tpu.memory_space<vmem>>
    %dma_start3A_558 = tpu.memref_squeeze %dma_start3A_557 : memref<1x8x128xf32, #tpu.memory_space<vmem>> -> memref<8x128xf32, #tpu.memory_space<vmem>>
    %dma_start3A_559 = tpu.memref_slice %arg3[%add3A_546, %multiple_of3A_553] : memref<1024x100000xf32, #tpu.memory_space<hbm>> -> memref<8x128xf32, #tpu.memory_space<hbm>>
    tpu.enqueue_dma source(%dma_start3A_559 : memref<8x128xf32, #tpu.memory_space<hbm>>) target(%dma_start3A_558 : memref<8x128xf32, #tpu.memory_space<vmem>>) target_semaphore(%arg8 : memref<!tpu.dma_semaphore, #tpu.memory_space<semaphore_mem>>)
    %mul3A_560 = arith.constant 32 : i32
    %mul3A_561 = arith.muli %arg0, %mul3A_560 : i32
    %add3A_562 = arith.constant 27 : i32
    %add3A_563 = arith.addi %mul3A_561, %add3A_562 : i32
    %mul3A_564 = arith.constant 32 : i32
    %mul3A_565 = arith.muli %arg0, %mul3A_564 : i32
    %add3A_566 = arith.constant 24 : i32
    %add3A_567 = arith.addi %mul3A_565, %add3A_566 : i32
    %get3A_568 = arith.index_cast %add3A_563 : i32 to index
    %get3A_569 = memref.load %arg1[%get3A_568] : memref<1024xi32, #tpu.memory_space<smem>>
    %shift_right_arithmetic3A_570 = arith.constant 7 : i32
    %shift_right_arithmetic3A_571 = arith.shrsi %get3A_569, %shift_right_arithmetic3A_570 : i32
    %shift_left3A_572 = arith.constant 7 : i32
    %shift_left3A_573 = arith.shli %shift_right_arithmetic3A_571, %shift_left3A_572 : i32
    %multiple_of3A_574 = tpu.assume_multiple %shift_left3A_573, 128 : i32
    %dma_start3A_575 = arith.constant 27 : i32
    %dma_start3A_576 = arith.constant 0 : i32
    %dma_start3A_577 = arith.constant 0 : i32
    %dma_start3A_578 = tpu.memref_slice %arg7[%dma_start3A_575, %dma_start3A_576, %dma_start3A_577] : memref<32x8x128xf32, #tpu.memory_space<vmem>> -> memref<1x8x128xf32, #tpu.memory_space<vmem>>
    %dma_start3A_579 = tpu.memref_squeeze %dma_start3A_578 : memref<1x8x128xf32, #tpu.memory_space<vmem>> -> memref<8x128xf32, #tpu.memory_space<vmem>>
    %dma_start3A_580 = tpu.memref_slice %arg3[%add3A_567, %multiple_of3A_574] : memref<1024x100000xf32, #tpu.memory_space<hbm>> -> memref<8x128xf32, #tpu.memory_space<hbm>>
    tpu.enqueue_dma source(%dma_start3A_580 : memref<8x128xf32, #tpu.memory_space<hbm>>) target(%dma_start3A_579 : memref<8x128xf32, #tpu.memory_space<vmem>>) target_semaphore(%arg8 : memref<!tpu.dma_semaphore, #tpu.memory_space<semaphore_mem>>)
    %mul3A_581 = arith.constant 32 : i32
    %mul3A_582 = arith.muli %arg0, %mul3A_581 : i32
    %add3A_583 = arith.constant 28 : i32
    %add3A_584 = arith.addi %mul3A_582, %add3A_583 : i32
    %mul3A_585 = arith.constant 32 : i32
    %mul3A_586 = arith.muli %arg0, %mul3A_585 : i32
    %add3A_587 = arith.constant 24 : i32
    %add3A_588 = arith.addi %mul3A_586, %add3A_587 : i32
    %get3A_589 = arith.index_cast %add3A_584 : i32 to index
    %get3A_590 = memref.load %arg1[%get3A_589] : memref<1024xi32, #tpu.memory_space<smem>>
    %shift_right_arithmetic3A_591 = arith.constant 7 : i32
    %shift_right_arithmetic3A_592 = arith.shrsi %get3A_590, %shift_right_arithmetic3A_591 : i32
    %shift_left3A_593 = arith.constant 7 : i32
    %shift_left3A_594 = arith.shli %shift_right_arithmetic3A_592, %shift_left3A_593 : i32
    %multiple_of3A_595 = tpu.assume_multiple %shift_left3A_594, 128 : i32
    %dma_start3A_596 = arith.constant 28 : i32
    %dma_start3A_597 = arith.constant 0 : i32
    %dma_start3A_598 = arith.constant 0 : i32
    %dma_start3A_599 = tpu.memref_slice %arg7[%dma_start3A_596, %dma_start3A_597, %dma_start3A_598] : memref<32x8x128xf32, #tpu.memory_space<vmem>> -> memref<1x8x128xf32, #tpu.memory_space<vmem>>
    %dma_start3A_600 = tpu.memref_squeeze %dma_start3A_599 : memref<1x8x128xf32, #tpu.memory_space<vmem>> -> memref<8x128xf32, #tpu.memory_space<vmem>>
    %dma_start3A_601 = tpu.memref_slice %arg3[%add3A_588, %multiple_of3A_595] : memref<1024x100000xf32, #tpu.memory_space<hbm>> -> memref<8x128xf32, #tpu.memory_space<hbm>>
    tpu.enqueue_dma source(%dma_start3A_601 : memref<8x128xf32, #tpu.memory_space<hbm>>) target(%dma_start3A_600 : memref<8x128xf32, #tpu.memory_space<vmem>>) target_semaphore(%arg8 : memref<!tpu.dma_semaphore, #tpu.memory_space<semaphore_mem>>)
    %mul3A_602 = arith.constant 32 : i32
    %mul3A_603 = arith.muli %arg0, %mul3A_602 : i32
    %add3A_604 = arith.constant 29 : i32
    %add3A_605 = arith.addi %mul3A_603, %add3A_604 : i32
    %mul3A_606 = arith.constant 32 : i32
    %mul3A_607 = arith.muli %arg0, %mul3A_606 : i32
    %add3A_608 = arith.constant 24 : i32
    %add3A_609 = arith.addi %mul3A_607, %add3A_608 : i32
    %get3A_610 = arith.index_cast %add3A_605 : i32 to index
    %get3A_611 = memref.load %arg1[%get3A_610] : memref<1024xi32, #tpu.memory_space<smem>>
    %shift_right_arithmetic3A_612 = arith.constant 7 : i32
    %shift_right_arithmetic3A_613 = arith.shrsi %get3A_611, %shift_right_arithmetic3A_612 : i32
    %shift_left3A_614 = arith.constant 7 : i32
    %shift_left3A_615 = arith.shli %shift_right_arithmetic3A_613, %shift_left3A_614 : i32
    %multiple_of3A_616 = tpu.assume_multiple %shift_left3A_615, 128 : i32
    %dma_start3A_617 = arith.constant 29 : i32
    %dma_start3A_618 = arith.constant 0 : i32
    %dma_start3A_619 = arith.constant 0 : i32
    %dma_start3A_620 = tpu.memref_slice %arg7[%dma_start3A_617, %dma_start3A_618, %dma_start3A_619] : memref<32x8x128xf32, #tpu.memory_space<vmem>> -> memref<1x8x128xf32, #tpu.memory_space<vmem>>
    %dma_start3A_621 = tpu.memref_squeeze %dma_start3A_620 : memref<1x8x128xf32, #tpu.memory_space<vmem>> -> memref<8x128xf32, #tpu.memory_space<vmem>>
    %dma_start3A_622 = tpu.memref_slice %arg3[%add3A_609, %multiple_of3A_616] : memref<1024x100000xf32, #tpu.memory_space<hbm>> -> memref<8x128xf32, #tpu.memory_space<hbm>>
    tpu.enqueue_dma source(%dma_start3A_622 : memref<8x128xf32, #tpu.memory_space<hbm>>) target(%dma_start3A_621 : memref<8x128xf32, #tpu.memory_space<vmem>>) target_semaphore(%arg8 : memref<!tpu.dma_semaphore, #tpu.memory_space<semaphore_mem>>)
    %mul3A_623 = arith.constant 32 : i32
    %mul3A_624 = arith.muli %arg0, %mul3A_623 : i32
    %add3A_625 = arith.constant 30 : i32
    %add3A_626 = arith.addi %mul3A_624, %add3A_625 : i32
    %mul3A_627 = arith.constant 32 : i32
    %mul3A_628 = arith.muli %arg0, %mul3A_627 : i32
    %add3A_629 = arith.constant 24 : i32
    %add3A_630 = arith.addi %mul3A_628, %add3A_629 : i32
    %get3A_631 = arith.index_cast %add3A_626 : i32 to index
    %get3A_632 = memref.load %arg1[%get3A_631] : memref<1024xi32, #tpu.memory_space<smem>>
    %shift_right_arithmetic3A_633 = arith.constant 7 : i32
    %shift_right_arithmetic3A_634 = arith.shrsi %get3A_632, %shift_right_arithmetic3A_633 : i32
    %shift_left3A_635 = arith.constant 7 : i32
    %shift_left3A_636 = arith.shli %shift_right_arithmetic3A_634, %shift_left3A_635 : i32
    %multiple_of3A_637 = tpu.assume_multiple %shift_left3A_636, 128 : i32
    %dma_start3A_638 = arith.constant 30 : i32
    %dma_start3A_639 = arith.constant 0 : i32
    %dma_start3A_640 = arith.constant 0 : i32
    %dma_start3A_641 = tpu.memref_slice %arg7[%dma_start3A_638, %dma_start3A_639, %dma_start3A_640] : memref<32x8x128xf32, #tpu.memory_space<vmem>> -> memref<1x8x128xf32, #tpu.memory_space<vmem>>
    %dma_start3A_642 = tpu.memref_squeeze %dma_start3A_641 : memref<1x8x128xf32, #tpu.memory_space<vmem>> -> memref<8x128xf32, #tpu.memory_space<vmem>>
    %dma_start3A_643 = tpu.memref_slice %arg3[%add3A_630, %multiple_of3A_637] : memref<1024x100000xf32, #tpu.memory_space<hbm>> -> memref<8x128xf32, #tpu.memory_space<hbm>>
    tpu.enqueue_dma source(%dma_start3A_643 : memref<8x128xf32, #tpu.memory_space<hbm>>) target(%dma_start3A_642 : memref<8x128xf32, #tpu.memory_space<vmem>>) target_semaphore(%arg8 : memref<!tpu.dma_semaphore, #tpu.memory_space<semaphore_mem>>)
    %mul3A_644 = arith.constant 32 : i32
    %mul3A_645 = arith.muli %arg0, %mul3A_644 : i32
    %add3A_646 = arith.constant 31 : i32
    %add3A_647 = arith.addi %mul3A_645, %add3A_646 : i32
    %mul3A_648 = arith.constant 32 : i32
    %mul3A_649 = arith.muli %arg0, %mul3A_648 : i32
    %add3A_650 = arith.constant 24 : i32
    %add3A_651 = arith.addi %mul3A_649, %add3A_650 : i32
    %get3A_652 = arith.index_cast %add3A_647 : i32 to index
    %get3A_653 = memref.load %arg1[%get3A_652] : memref<1024xi32, #tpu.memory_space<smem>>
    %shift_right_arithmetic3A_654 = arith.constant 7 : i32
    %shift_right_arithmetic3A_655 = arith.shrsi %get3A_653, %shift_right_arithmetic3A_654 : i32
    %shift_left3A_656 = arith.constant 7 : i32
    %shift_left3A_657 = arith.shli %shift_right_arithmetic3A_655, %shift_left3A_656 : i32
    %multiple_of3A_658 = tpu.assume_multiple %shift_left3A_657, 128 : i32
    %dma_start3A_659 = arith.constant 31 : i32
    %dma_start3A_660 = arith.constant 0 : i32
    %dma_start3A_661 = arith.constant 0 : i32
    %dma_start3A_662 = tpu.memref_slice %arg7[%dma_start3A_659, %dma_start3A_660, %dma_start3A_661] : memref<32x8x128xf32, #tpu.memory_space<vmem>> -> memref<1x8x128xf32, #tpu.memory_space<vmem>>
    %dma_start3A_663 = tpu.memref_squeeze %dma_start3A_662 : memref<1x8x128xf32, #tpu.memory_space<vmem>> -> memref<8x128xf32, #tpu.memory_space<vmem>>
    %dma_start3A_664 = tpu.memref_slice %arg3[%add3A_651, %multiple_of3A_658] : memref<1024x100000xf32, #tpu.memory_space<hbm>> -> memref<8x128xf32, #tpu.memory_space<hbm>>
    tpu.enqueue_dma source(%dma_start3A_664 : memref<8x128xf32, #tpu.memory_space<hbm>>) target(%dma_start3A_663 : memref<8x128xf32, #tpu.memory_space<vmem>>) target_semaphore(%arg8 : memref<!tpu.dma_semaphore, #tpu.memory_space<semaphore_mem>>)
    %get3A_665 = arith.constant 0 : index
    %get3A_666 = arith.constant 0 : index
    %get3A_667 = vector.load %arg2[%get3A_665, %get3A_666] : memref<32x100000xf32, #tpu.memory_space<vmem>>, vector<32x100000xf32>
    %mul3A_668 = arith.constant 6.400000e+01 : f32
    %mul3A_669 = vector.broadcast %mul3A_668 : f32 to vector<32x100000xf32>
    %mul3A_670 = arith.mulf %get3A_667, %mul3A_669 : vector<32x100000xf32>
    %iota3A = tpu.iota {dimensions = array<i32: 1>} : vector<32x100000xi32>
    %get3A_671 = arith.constant 0 : index
    %get3A_672 = arith.constant 0 : index
    %get3A_673 = vector.load %arg4[%get3A_671, %get3A_672] : memref<32x1xi32, #tpu.memory_space<vmem>>, vector<32x1xi32>
    %eq3A = vector.broadcast %get3A_673 : vector<32x1xi32> to vector<32x100000xi32>
    %eq3A_674 = arith.cmpi eq, %iota3A, %eq3A : vector<32x100000xi32>
    %ge3A = arith.constant 100000 : i32
    %ge3A_675 = vector.broadcast %ge3A : i32 to vector<32x100000xi32>
    %ge3A_676 = arith.cmpi sge, %iota3A, %ge3A_675 : vector<32x100000xi32>
    %or3A = arith.ori %eq3A_674, %ge3A_676 : vector<32x100000xi1>
    %exp3A = math.exp %mul3A_670 : vector<32x100000xf32>
    %jit3A = arith.constant 0.000000e+00 : f32
    %broadcast_in_dim3A = vector.broadcast %jit3A : f32 to vector<32x100000xf32>
    %select_n3A = arith.select %or3A, %broadcast_in_dim3A, %exp3A : vector<32x100000xi1>, vector<32x100000xf32>
    %reduce_sum3A = arith.constant dense<0.000000e+00> : vector<32xf32>
    %reduce_sum3A_677 = vector.multi_reduction <add>, %select_n3A, %reduce_sum3A [1] : vector<32x100000xf32> to vector<32xf32>
    %broadcast_in_dim3A_678 = vector.shape_cast %reduce_sum3A_677 : vector<32xf32> to vector<32x1xf32>
    %swap3A = arith.constant 0 : index
    %swap3A_679 = arith.constant 0 : index
    %swap3A_680 = vector.load %arg5[%swap3A, %swap3A_679] : memref<32x1xf32, #tpu.memory_space<vmem>>, vector<32x1xf32>
    tpu.vector_store %arg5[%swap3A, %swap3A_679], %broadcast_in_dim3A_678 {strides = array<i32>} : memref<32x1xf32, #tpu.memory_space<vmem>>, vector<32x1xf32>,
    %dma_wait3A = arith.constant 0 : i32
    %dma_wait3A_681 = arith.constant 0 : i32
    %dma_wait3A_682 = arith.constant 0 : i32
    %dma_wait3A_683 = tpu.memref_slice %arg7[%dma_wait3A, %dma_wait3A_681, %dma_wait3A_682] : memref<32x8x128xf32, #tpu.memory_space<vmem>> -> memref<1x8x128xf32, #tpu.memory_space<vmem>>
    %dma_wait3A_684 = tpu.memref_squeeze %dma_wait3A_683 : memref<1x8x128xf32, #tpu.memory_space<vmem>> -> memref<8x128xf32, #tpu.memory_space<vmem>>
    %dma_wait3A_685 = tpu.memref_slice %arg3[%add3A_5, %multiple_of3A] : memref<1024x100000xf32, #tpu.memory_space<hbm>> -> memref<8x128xf32, #tpu.memory_space<hbm>>
    tpu.wait_dma2 semaphore(%arg8 : memref<!tpu.dma_semaphore, #tpu.memory_space<semaphore_mem>>) src(%dma_wait3A_685 : memref<8x128xf32, #tpu.memory_space<hbm>>) dst(%dma_wait3A_684 : memref<8x128xf32, #tpu.memory_space<vmem>>)
    %dma_wait3A_686 = arith.constant 1 : i32
    %dma_wait3A_687 = arith.constant 0 : i32
    %dma_wait3A_688 = arith.constant 0 : i32
    %dma_wait3A_689 = tpu.memref_slice %arg7[%dma_wait3A_686, %dma_wait3A_687, %dma_wait3A_688] : memref<32x8x128xf32, #tpu.memory_space<vmem>> -> memref<1x8x128xf32, #tpu.memory_space<vmem>>
    %dma_wait3A_690 = tpu.memref_squeeze %dma_wait3A_689 : memref<1x8x128xf32, #tpu.memory_space<vmem>> -> memref<8x128xf32, #tpu.memory_space<vmem>>
    %dma_wait3A_691 = tpu.memref_slice %arg3[%add3A_21, %multiple_of3A_28] : memref<1024x100000xf32, #tpu.memory_space<hbm>> -> memref<8x128xf32, #tpu.memory_space<hbm>>
    tpu.wait_dma2 semaphore(%arg8 : memref<!tpu.dma_semaphore, #tpu.memory_space<semaphore_mem>>) src(%dma_wait3A_691 : memref<8x128xf32, #tpu.memory_space<hbm>>) dst(%dma_wait3A_690 : memref<8x128xf32, #tpu.memory_space<vmem>>)
    %dma_wait3A_692 = arith.constant 2 : i32
    %dma_wait3A_693 = arith.constant 0 : i32
    %dma_wait3A_694 = arith.constant 0 : i32
    %dma_wait3A_695 = tpu.memref_slice %arg7[%dma_wait3A_692, %dma_wait3A_693, %dma_wait3A_694] : memref<32x8x128xf32, #tpu.memory_space<vmem>> -> memref<1x8x128xf32, #tpu.memory_space<vmem>>
    %dma_wait3A_696 = tpu.memref_squeeze %dma_wait3A_695 : memref<1x8x128xf32, #tpu.memory_space<vmem>> -> memref<8x128xf32, #tpu.memory_space<vmem>>
    %dma_wait3A_697 = tpu.memref_slice %arg3[%add3A_42, %multiple_of3A_49] : memref<1024x100000xf32, #tpu.memory_space<hbm>> -> memref<8x128xf32, #tpu.memory_space<hbm>>
    tpu.wait_dma2 semaphore(%arg8 : memref<!tpu.dma_semaphore, #tpu.memory_space<semaphore_mem>>) src(%dma_wait3A_697 : memref<8x128xf32, #tpu.memory_space<hbm>>) dst(%dma_wait3A_696 : memref<8x128xf32, #tpu.memory_space<vmem>>)
    %dma_wait3A_698 = arith.constant 3 : i32
    %dma_wait3A_699 = arith.constant 0 : i32
    %dma_wait3A_700 = arith.constant 0 : i32
    %dma_wait3A_701 = tpu.memref_slice %arg7[%dma_wait3A_698, %dma_wait3A_699, %dma_wait3A_700] : memref<32x8x128xf32, #tpu.memory_space<vmem>> -> memref<1x8x128xf32, #tpu.memory_space<vmem>>
    %dma_wait3A_702 = tpu.memref_squeeze %dma_wait3A_701 : memref<1x8x128xf32, #tpu.memory_space<vmem>> -> memref<8x128xf32, #tpu.memory_space<vmem>>
    %dma_wait3A_703 = tpu.memref_slice %arg3[%add3A_63, %multiple_of3A_70] : memref<1024x100000xf32, #tpu.memory_space<hbm>> -> memref<8x128xf32, #tpu.memory_space<hbm>>
    tpu.wait_dma2 semaphore(%arg8 : memref<!tpu.dma_semaphore, #tpu.memory_space<semaphore_mem>>) src(%dma_wait3A_703 : memref<8x128xf32, #tpu.memory_space<hbm>>) dst(%dma_wait3A_702 : memref<8x128xf32, #tpu.memory_space<vmem>>)
    %dma_wait3A_704 = arith.constant 4 : i32
    %dma_wait3A_705 = arith.constant 0 : i32
    %dma_wait3A_706 = arith.constant 0 : i32
    %dma_wait3A_707 = tpu.memref_slice %arg7[%dma_wait3A_704, %dma_wait3A_705, %dma_wait3A_706] : memref<32x8x128xf32, #tpu.memory_space<vmem>> -> memref<1x8x128xf32, #tpu.memory_space<vmem>>
    %dma_wait3A_708 = tpu.memref_squeeze %dma_wait3A_707 : memref<1x8x128xf32, #tpu.memory_space<vmem>> -> memref<8x128xf32, #tpu.memory_space<vmem>>
    %dma_wait3A_709 = tpu.memref_slice %arg3[%add3A_84, %multiple_of3A_91] : memref<1024x100000xf32, #tpu.memory_space<hbm>> -> memref<8x128xf32, #tpu.memory_space<hbm>>
    tpu.wait_dma2 semaphore(%arg8 : memref<!tpu.dma_semaphore, #tpu.memory_space<semaphore_mem>>) src(%dma_wait3A_709 : memref<8x128xf32, #tpu.memory_space<hbm>>) dst(%dma_wait3A_708 : memref<8x128xf32, #tpu.memory_space<vmem>>)
    %dma_wait3A_710 = arith.constant 5 : i32
    %dma_wait3A_711 = arith.constant 0 : i32
    %dma_wait3A_712 = arith.constant 0 : i32
    %dma_wait3A_713 = tpu.memref_slice %arg7[%dma_wait3A_710, %dma_wait3A_711, %dma_wait3A_712] : memref<32x8x128xf32, #tpu.memory_space<vmem>> -> memref<1x8x128xf32, #tpu.memory_space<vmem>>
    %dma_wait3A_714 = tpu.memref_squeeze %dma_wait3A_713 : memref<1x8x128xf32, #tpu.memory_space<vmem>> -> memref<8x128xf32, #tpu.memory_space<vmem>>
    %dma_wait3A_715 = tpu.memref_slice %arg3[%add3A_105, %multiple_of3A_112] : memref<1024x100000xf32, #tpu.memory_space<hbm>> -> memref<8x128xf32, #tpu.memory_space<hbm>>
    tpu.wait_dma2 semaphore(%arg8 : memref<!tpu.dma_semaphore, #tpu.memory_space<semaphore_mem>>) src(%dma_wait3A_715 : memref<8x128xf32, #tpu.memory_space<hbm>>) dst(%dma_wait3A_714 : memref<8x128xf32, #tpu.memory_space<vmem>>)
    %dma_wait3A_716 = arith.constant 6 : i32
    %dma_wait3A_717 = arith.constant 0 : i32
    %dma_wait3A_718 = arith.constant 0 : i32
    %dma_wait3A_719 = tpu.memref_slice %arg7[%dma_wait3A_716, %dma_wait3A_717, %dma_wait3A_718] : memref<32x8x128xf32, #tpu.memory_space<vmem>> -> memref<1x8x128xf32, #tpu.memory_space<vmem>>
    %dma_wait3A_720 = tpu.memref_squeeze %dma_wait3A_719 : memref<1x8x128xf32, #tpu.memory_space<vmem>> -> memref<8x128xf32, #tpu.memory_space<vmem>>
    %dma_wait3A_721 = tpu.memref_slice %arg3[%add3A_126, %multiple_of3A_133] : memref<1024x100000xf32, #tpu.memory_space<hbm>> -> memref<8x128xf32, #tpu.memory_space<hbm>>
    tpu.wait_dma2 semaphore(%arg8 : memref<!tpu.dma_semaphore, #tpu.memory_space<semaphore_mem>>) src(%dma_wait3A_721 : memref<8x128xf32, #tpu.memory_space<hbm>>) dst(%dma_wait3A_720 : memref<8x128xf32, #tpu.memory_space<vmem>>)
    %dma_wait3A_722 = arith.constant 7 : i32
    %dma_wait3A_723 = arith.constant 0 : i32
    %dma_wait3A_724 = arith.constant 0 : i32
    %dma_wait3A_725 = tpu.memref_slice %arg7[%dma_wait3A_722, %dma_wait3A_723, %dma_wait3A_724] : memref<32x8x128xf32, #tpu.memory_space<vmem>> -> memref<1x8x128xf32, #tpu.memory_space<vmem>>
    %dma_wait3A_726 = tpu.memref_squeeze %dma_wait3A_725 : memref<1x8x128xf32, #tpu.memory_space<vmem>> -> memref<8x128xf32, #tpu.memory_space<vmem>>
    %dma_wait3A_727 = tpu.memref_slice %arg3[%add3A_147, %multiple_of3A_154] : memref<1024x100000xf32, #tpu.memory_space<hbm>> -> memref<8x128xf32, #tpu.memory_space<hbm>>
    tpu.wait_dma2 semaphore(%arg8 : memref<!tpu.dma_semaphore, #tpu.memory_space<semaphore_mem>>) src(%dma_wait3A_727 : memref<8x128xf32, #tpu.memory_space<hbm>>) dst(%dma_wait3A_726 : memref<8x128xf32, #tpu.memory_space<vmem>>)
    %dma_wait3A_728 = arith.constant 8 : i32
    %dma_wait3A_729 = arith.constant 0 : i32
    %dma_wait3A_730 = arith.constant 0 : i32
    %dma_wait3A_731 = tpu.memref_slice %arg7[%dma_wait3A_728, %dma_wait3A_729, %dma_wait3A_730] : memref<32x8x128xf32, #tpu.memory_space<vmem>> -> memref<1x8x128xf32, #tpu.memory_space<vmem>>
    %dma_wait3A_732 = tpu.memref_squeeze %dma_wait3A_731 : memref<1x8x128xf32, #tpu.memory_space<vmem>> -> memref<8x128xf32, #tpu.memory_space<vmem>>
    %dma_wait3A_733 = tpu.memref_slice %arg3[%add3A_168, %multiple_of3A_175] : memref<1024x100000xf32, #tpu.memory_space<hbm>> -> memref<8x128xf32, #tpu.memory_space<hbm>>
    tpu.wait_dma2 semaphore(%arg8 : memref<!tpu.dma_semaphore, #tpu.memory_space<semaphore_mem>>) src(%dma_wait3A_733 : memref<8x128xf32, #tpu.memory_space<hbm>>) dst(%dma_wait3A_732 : memref<8x128xf32, #tpu.memory_space<vmem>>)
    %dma_wait3A_734 = arith.constant 9 : i32
    %dma_wait3A_735 = arith.constant 0 : i32
    %dma_wait3A_736 = arith.constant 0 : i32
    %dma_wait3A_737 = tpu.memref_slice %arg7[%dma_wait3A_734, %dma_wait3A_735, %dma_wait3A_736] : memref<32x8x128xf32, #tpu.memory_space<vmem>> -> memref<1x8x128xf32, #tpu.memory_space<vmem>>
    %dma_wait3A_738 = tpu.memref_squeeze %dma_wait3A_737 : memref<1x8x128xf32, #tpu.memory_space<vmem>> -> memref<8x128xf32, #tpu.memory_space<vmem>>
    %dma_wait3A_739 = tpu.memref_slice %arg3[%add3A_189, %multiple_of3A_196] : memref<1024x100000xf32, #tpu.memory_space<hbm>> -> memref<8x128xf32, #tpu.memory_space<hbm>>
    tpu.wait_dma2 semaphore(%arg8 : memref<!tpu.dma_semaphore, #tpu.memory_space<semaphore_mem>>) src(%dma_wait3A_739 : memref<8x128xf32, #tpu.memory_space<hbm>>) dst(%dma_wait3A_738 : memref<8x128xf32, #tpu.memory_space<vmem>>)
    %dma_wait3A_740 = arith.constant 10 : i32
    %dma_wait3A_741 = arith.constant 0 : i32
    %dma_wait3A_742 = arith.constant 0 : i32
    %dma_wait3A_743 = tpu.memref_slice %arg7[%dma_wait3A_740, %dma_wait3A_741, %dma_wait3A_742] : memref<32x8x128xf32, #tpu.memory_space<vmem>> -> memref<1x8x128xf32, #tpu.memory_space<vmem>>
    %dma_wait3A_744 = tpu.memref_squeeze %dma_wait3A_743 : memref<1x8x128xf32, #tpu.memory_space<vmem>> -> memref<8x128xf32, #tpu.memory_space<vmem>>
    %dma_wait3A_745 = tpu.memref_slice %arg3[%add3A_210, %multiple_of3A_217] : memref<1024x100000xf32, #tpu.memory_space<hbm>> -> memref<8x128xf32, #tpu.memory_space<hbm>>
    tpu.wait_dma2 semaphore(%arg8 : memref<!tpu.dma_semaphore, #tpu.memory_space<semaphore_mem>>) src(%dma_wait3A_745 : memref<8x128xf32, #tpu.memory_space<hbm>>) dst(%dma_wait3A_744 : memref<8x128xf32, #tpu.memory_space<vmem>>)
    %dma_wait3A_746 = arith.constant 11 : i32
    %dma_wait3A_747 = arith.constant 0 : i32
    %dma_wait3A_748 = arith.constant 0 : i32
    %dma_wait3A_749 = tpu.memref_slice %arg7[%dma_wait3A_746, %dma_wait3A_747, %dma_wait3A_748] : memref<32x8x128xf32, #tpu.memory_space<vmem>> -> memref<1x8x128xf32, #tpu.memory_space<vmem>>
    %dma_wait3A_750 = tpu.memref_squeeze %dma_wait3A_749 : memref<1x8x128xf32, #tpu.memory_space<vmem>> -> memref<8x128xf32, #tpu.memory_space<vmem>>
    %dma_wait3A_751 = tpu.memref_slice %arg3[%add3A_231, %multiple_of3A_238] : memref<1024x100000xf32, #tpu.memory_space<hbm>> -> memref<8x128xf32, #tpu.memory_space<hbm>>
    tpu.wait_dma2 semaphore(%arg8 : memref<!tpu.dma_semaphore, #tpu.memory_space<semaphore_mem>>) src(%dma_wait3A_751 : memref<8x128xf32, #tpu.memory_space<hbm>>) dst(%dma_wait3A_750 : memref<8x128xf32, #tpu.memory_space<vmem>>)
    %dma_wait3A_752 = arith.constant 12 : i32
    %dma_wait3A_753 = arith.constant 0 : i32
    %dma_wait3A_754 = arith.constant 0 : i32
    %dma_wait3A_755 = tpu.memref_slice %arg7[%dma_wait3A_752, %dma_wait3A_753, %dma_wait3A_754] : memref<32x8x128xf32, #tpu.memory_space<vmem>> -> memref<1x8x128xf32, #tpu.memory_space<vmem>>
    %dma_wait3A_756 = tpu.memref_squeeze %dma_wait3A_755 : memref<1x8x128xf32, #tpu.memory_space<vmem>> -> memref<8x128xf32, #tpu.memory_space<vmem>>
    %dma_wait3A_757 = tpu.memref_slice %arg3[%add3A_252, %multiple_of3A_259] : memref<1024x100000xf32, #tpu.memory_space<hbm>> -> memref<8x128xf32, #tpu.memory_space<hbm>>
    tpu.wait_dma2 semaphore(%arg8 : memref<!tpu.dma_semaphore, #tpu.memory_space<semaphore_mem>>) src(%dma_wait3A_757 : memref<8x128xf32, #tpu.memory_space<hbm>>) dst(%dma_wait3A_756 : memref<8x128xf32, #tpu.memory_space<vmem>>)
    %dma_wait3A_758 = arith.constant 13 : i32
    %dma_wait3A_759 = arith.constant 0 : i32
    %dma_wait3A_760 = arith.constant 0 : i32
    %dma_wait3A_761 = tpu.memref_slice %arg7[%dma_wait3A_758, %dma_wait3A_759, %dma_wait3A_760] : memref<32x8x128xf32, #tpu.memory_space<vmem>> -> memref<1x8x128xf32, #tpu.memory_space<vmem>>
    %dma_wait3A_762 = tpu.memref_squeeze %dma_wait3A_761 : memref<1x8x128xf32, #tpu.memory_space<vmem>> -> memref<8x128xf32, #tpu.memory_space<vmem>>
    %dma_wait3A_763 = tpu.memref_slice %arg3[%add3A_273, %multiple_of3A_280] : memref<1024x100000xf32, #tpu.memory_space<hbm>> -> memref<8x128xf32, #tpu.memory_space<hbm>>
    tpu.wait_dma2 semaphore(%arg8 : memref<!tpu.dma_semaphore, #tpu.memory_space<semaphore_mem>>) src(%dma_wait3A_763 : memref<8x128xf32, #tpu.memory_space<hbm>>) dst(%dma_wait3A_762 : memref<8x128xf32, #tpu.memory_space<vmem>>)
    %dma_wait3A_764 = arith.constant 14 : i32
    %dma_wait3A_765 = arith.constant 0 : i32
    %dma_wait3A_766 = arith.constant 0 : i32
    %dma_wait3A_767 = tpu.memref_slice %arg7[%dma_wait3A_764, %dma_wait3A_765, %dma_wait3A_766] : memref<32x8x128xf32, #tpu.memory_space<vmem>> -> memref<1x8x128xf32, #tpu.memory_space<vmem>>
    %dma_wait3A_768 = tpu.memref_squeeze %dma_wait3A_767 : memref<1x8x128xf32, #tpu.memory_space<vmem>> -> memref<8x128xf32, #tpu.memory_space<vmem>>
    %dma_wait3A_769 = tpu.memref_slice %arg3[%add3A_294, %multiple_of3A_301] : memref<1024x100000xf32, #tpu.memory_space<hbm>> -> memref<8x128xf32, #tpu.memory_space<hbm>>
    tpu.wait_dma2 semaphore(%arg8 : memref<!tpu.dma_semaphore, #tpu.memory_space<semaphore_mem>>) src(%dma_wait3A_769 : memref<8x128xf32, #tpu.memory_space<hbm>>) dst(%dma_wait3A_768 : memref<8x128xf32, #tpu.memory_space<vmem>>)
    %dma_wait3A_770 = arith.constant 15 : i32
    %dma_wait3A_771 = arith.constant 0 : i32
    %dma_wait3A_772 = arith.constant 0 : i32
    %dma_wait3A_773 = tpu.memref_slice %arg7[%dma_wait3A_770, %dma_wait3A_771, %dma_wait3A_772] : memref<32x8x128xf32, #tpu.memory_space<vmem>> -> memref<1x8x128xf32, #tpu.memory_space<vmem>>
    %dma_wait3A_774 = tpu.memref_squeeze %dma_wait3A_773 : memref<1x8x128xf32, #tpu.memory_space<vmem>> -> memref<8x128xf32, #tpu.memory_space<vmem>>
    %dma_wait3A_775 = tpu.memref_slice %arg3[%add3A_315, %multiple_of3A_322] : memref<1024x100000xf32, #tpu.memory_space<hbm>> -> memref<8x128xf32, #tpu.memory_space<hbm>>
    tpu.wait_dma2 semaphore(%arg8 : memref<!tpu.dma_semaphore, #tpu.memory_space<semaphore_mem>>) src(%dma_wait3A_775 : memref<8x128xf32, #tpu.memory_space<hbm>>) dst(%dma_wait3A_774 : memref<8x128xf32, #tpu.memory_space<vmem>>)
    %dma_wait3A_776 = arith.constant 16 : i32
    %dma_wait3A_777 = arith.constant 0 : i32
    %dma_wait3A_778 = arith.constant 0 : i32
    %dma_wait3A_779 = tpu.memref_slice %arg7[%dma_wait3A_776, %dma_wait3A_777, %dma_wait3A_778] : memref<32x8x128xf32, #tpu.memory_space<vmem>> -> memref<1x8x128xf32, #tpu.memory_space<vmem>>
    %dma_wait3A_780 = tpu.memref_squeeze %dma_wait3A_779 : memref<1x8x128xf32, #tpu.memory_space<vmem>> -> memref<8x128xf32, #tpu.memory_space<vmem>>
    %dma_wait3A_781 = tpu.memref_slice %arg3[%add3A_336, %multiple_of3A_343] : memref<1024x100000xf32, #tpu.memory_space<hbm>> -> memref<8x128xf32, #tpu.memory_space<hbm>>
    tpu.wait_dma2 semaphore(%arg8 : memref<!tpu.dma_semaphore, #tpu.memory_space<semaphore_mem>>) src(%dma_wait3A_781 : memref<8x128xf32, #tpu.memory_space<hbm>>) dst(%dma_wait3A_780 : memref<8x128xf32, #tpu.memory_space<vmem>>)
    %dma_wait3A_782 = arith.constant 17 : i32
    %dma_wait3A_783 = arith.constant 0 : i32
    %dma_wait3A_784 = arith.constant 0 : i32
    %dma_wait3A_785 = tpu.memref_slice %arg7[%dma_wait3A_782, %dma_wait3A_783, %dma_wait3A_784] : memref<32x8x128xf32, #tpu.memory_space<vmem>> -> memref<1x8x128xf32, #tpu.memory_space<vmem>>
    %dma_wait3A_786 = tpu.memref_squeeze %dma_wait3A_785 : memref<1x8x128xf32, #tpu.memory_space<vmem>> -> memref<8x128xf32, #tpu.memory_space<vmem>>
    %dma_wait3A_787 = tpu.memref_slice %arg3[%add3A_357, %multiple_of3A_364] : memref<1024x100000xf32, #tpu.memory_space<hbm>> -> memref<8x128xf32, #tpu.memory_space<hbm>>
    tpu.wait_dma2 semaphore(%arg8 : memref<!tpu.dma_semaphore, #tpu.memory_space<semaphore_mem>>) src(%dma_wait3A_787 : memref<8x128xf32, #tpu.memory_space<hbm>>) dst(%dma_wait3A_786 : memref<8x128xf32, #tpu.memory_space<vmem>>)
    %dma_wait3A_788 = arith.constant 18 : i32
    %dma_wait3A_789 = arith.constant 0 : i32
    %dma_wait3A_790 = arith.constant 0 : i32
    %dma_wait3A_791 = tpu.memref_slice %arg7[%dma_wait3A_788, %dma_wait3A_789, %dma_wait3A_790] : memref<32x8x128xf32, #tpu.memory_space<vmem>> -> memref<1x8x128xf32, #tpu.memory_space<vmem>>
    %dma_wait3A_792 = tpu.memref_squeeze %dma_wait3A_791 : memref<1x8x128xf32, #tpu.memory_space<vmem>> -> memref<8x128xf32, #tpu.memory_space<vmem>>
    %dma_wait3A_793 = tpu.memref_slice %arg3[%add3A_378, %multiple_of3A_385] : memref<1024x100000xf32, #tpu.memory_space<hbm>> -> memref<8x128xf32, #tpu.memory_space<hbm>>
    tpu.wait_dma2 semaphore(%arg8 : memref<!tpu.dma_semaphore, #tpu.memory_space<semaphore_mem>>) src(%dma_wait3A_793 : memref<8x128xf32, #tpu.memory_space<hbm>>) dst(%dma_wait3A_792 : memref<8x128xf32, #tpu.memory_space<vmem>>)
    %dma_wait3A_794 = arith.constant 19 : i32
    %dma_wait3A_795 = arith.constant 0 : i32
    %dma_wait3A_796 = arith.constant 0 : i32
    %dma_wait3A_797 = tpu.memref_slice %arg7[%dma_wait3A_794, %dma_wait3A_795, %dma_wait3A_796] : memref<32x8x128xf32, #tpu.memory_space<vmem>> -> memref<1x8x128xf32, #tpu.memory_space<vmem>>
    %dma_wait3A_798 = tpu.memref_squeeze %dma_wait3A_797 : memref<1x8x128xf32, #tpu.memory_space<vmem>> -> memref<8x128xf32, #tpu.memory_space<vmem>>
    %dma_wait3A_799 = tpu.memref_slice %arg3[%add3A_399, %multiple_of3A_406] : memref<1024x100000xf32, #tpu.memory_space<hbm>> -> memref<8x128xf32, #tpu.memory_space<hbm>>
    tpu.wait_dma2 semaphore(%arg8 : memref<!tpu.dma_semaphore, #tpu.memory_space<semaphore_mem>>) src(%dma_wait3A_799 : memref<8x128xf32, #tpu.memory_space<hbm>>) dst(%dma_wait3A_798 : memref<8x128xf32, #tpu.memory_space<vmem>>)
    %dma_wait3A_800 = arith.constant 20 : i32
    %dma_wait3A_801 = arith.constant 0 : i32
    %dma_wait3A_802 = arith.constant 0 : i32
    %dma_wait3A_803 = tpu.memref_slice %arg7[%dma_wait3A_800, %dma_wait3A_801, %dma_wait3A_802] : memref<32x8x128xf32, #tpu.memory_space<vmem>> -> memref<1x8x128xf32, #tpu.memory_space<vmem>>
    %dma_wait3A_804 = tpu.memref_squeeze %dma_wait3A_803 : memref<1x8x128xf32, #tpu.memory_space<vmem>> -> memref<8x128xf32, #tpu.memory_space<vmem>>
    %dma_wait3A_805 = tpu.memref_slice %arg3[%add3A_420, %multiple_of3A_427] : memref<1024x100000xf32, #tpu.memory_space<hbm>> -> memref<8x128xf32, #tpu.memory_space<hbm>>
    tpu.wait_dma2 semaphore(%arg8 : memref<!tpu.dma_semaphore, #tpu.memory_space<semaphore_mem>>) src(%dma_wait3A_805 : memref<8x128xf32, #tpu.memory_space<hbm>>) dst(%dma_wait3A_804 : memref<8x128xf32, #tpu.memory_space<vmem>>)
    %dma_wait3A_806 = arith.constant 21 : i32
    %dma_wait3A_807 = arith.constant 0 : i32
    %dma_wait3A_808 = arith.constant 0 : i32
    %dma_wait3A_809 = tpu.memref_slice %arg7[%dma_wait3A_806, %dma_wait3A_807, %dma_wait3A_808] : memref<32x8x128xf32, #tpu.memory_space<vmem>> -> memref<1x8x128xf32, #tpu.memory_space<vmem>>
    %dma_wait3A_810 = tpu.memref_squeeze %dma_wait3A_809 : memref<1x8x128xf32, #tpu.memory_space<vmem>> -> memref<8x128xf32, #tpu.memory_space<vmem>>
    %dma_wait3A_811 = tpu.memref_slice %arg3[%add3A_441, %multiple_of3A_448] : memref<1024x100000xf32, #tpu.memory_space<hbm>> -> memref<8x128xf32, #tpu.memory_space<hbm>>
    tpu.wait_dma2 semaphore(%arg8 : memref<!tpu.dma_semaphore, #tpu.memory_space<semaphore_mem>>) src(%dma_wait3A_811 : memref<8x128xf32, #tpu.memory_space<hbm>>) dst(%dma_wait3A_810 : memref<8x128xf32, #tpu.memory_space<vmem>>)
    %dma_wait3A_812 = arith.constant 22 : i32
    %dma_wait3A_813 = arith.constant 0 : i32
    %dma_wait3A_814 = arith.constant 0 : i32
    %dma_wait3A_815 = tpu.memref_slice %arg7[%dma_wait3A_812, %dma_wait3A_813, %dma_wait3A_814] : memref<32x8x128xf32, #tpu.memory_space<vmem>> -> memref<1x8x128xf32, #tpu.memory_space<vmem>>
    %dma_wait3A_816 = tpu.memref_squeeze %dma_wait3A_815 : memref<1x8x128xf32, #tpu.memory_space<vmem>> -> memref<8x128xf32, #tpu.memory_space<vmem>>
    %dma_wait3A_817 = tpu.memref_slice %arg3[%add3A_462, %multiple_of3A_469] : memref<1024x100000xf32, #tpu.memory_space<hbm>> -> memref<8x128xf32, #tpu.memory_space<hbm>>
    tpu.wait_dma2 semaphore(%arg8 : memref<!tpu.dma_semaphore, #tpu.memory_space<semaphore_mem>>) src(%dma_wait3A_817 : memref<8x128xf32, #tpu.memory_space<hbm>>) dst(%dma_wait3A_816 : memref<8x128xf32, #tpu.memory_space<vmem>>)
    %dma_wait3A_818 = arith.constant 23 : i32
    %dma_wait3A_819 = arith.constant 0 : i32
    %dma_wait3A_820 = arith.constant 0 : i32
    %dma_wait3A_821 = tpu.memref_slice %arg7[%dma_wait3A_818, %dma_wait3A_819, %dma_wait3A_820] : memref<32x8x128xf32, #tpu.memory_space<vmem>> -> memref<1x8x128xf32, #tpu.memory_space<vmem>>
    %dma_wait3A_822 = tpu.memref_squeeze %dma_wait3A_821 : memref<1x8x128xf32, #tpu.memory_space<vmem>> -> memref<8x128xf32, #tpu.memory_space<vmem>>
    %dma_wait3A_823 = tpu.memref_slice %arg3[%add3A_483, %multiple_of3A_490] : memref<1024x100000xf32, #tpu.memory_space<hbm>> -> memref<8x128xf32, #tpu.memory_space<hbm>>
    tpu.wait_dma2 semaphore(%arg8 : memref<!tpu.dma_semaphore, #tpu.memory_space<semaphore_mem>>) src(%dma_wait3A_823 : memref<8x128xf32, #tpu.memory_space<hbm>>) dst(%dma_wait3A_822 : memref<8x128xf32, #tpu.memory_space<vmem>>)
    %dma_wait3A_824 = arith.constant 24 : i32
    %dma_wait3A_825 = arith.constant 0 : i32
    %dma_wait3A_826 = arith.constant 0 : i32
    %dma_wait3A_827 = tpu.memref_slice %arg7[%dma_wait3A_824, %dma_wait3A_825, %dma_wait3A_826] : memref<32x8x128xf32, #tpu.memory_space<vmem>> -> memref<1x8x128xf32, #tpu.memory_space<vmem>>
    %dma_wait3A_828 = tpu.memref_squeeze %dma_wait3A_827 : memref<1x8x128xf32, #tpu.memory_space<vmem>> -> memref<8x128xf32, #tpu.memory_space<vmem>>
    %dma_wait3A_829 = tpu.memref_slice %arg3[%add3A_504, %multiple_of3A_511] : memref<1024x100000xf32, #tpu.memory_space<hbm>> -> memref<8x128xf32, #tpu.memory_space<hbm>>
    tpu.wait_dma2 semaphore(%arg8 : memref<!tpu.dma_semaphore, #tpu.memory_space<semaphore_mem>>) src(%dma_wait3A_829 : memref<8x128xf32, #tpu.memory_space<hbm>>) dst(%dma_wait3A_828 : memref<8x128xf32, #tpu.memory_space<vmem>>)
    %dma_wait3A_830 = arith.constant 25 : i32
    %dma_wait3A_831 = arith.constant 0 : i32
    %dma_wait3A_832 = arith.constant 0 : i32
    %dma_wait3A_833 = tpu.memref_slice %arg7[%dma_wait3A_830, %dma_wait3A_831, %dma_wait3A_832] : memref<32x8x128xf32, #tpu.memory_space<vmem>> -> memref<1x8x128xf32, #tpu.memory_space<vmem>>
    %dma_wait3A_834 = tpu.memref_squeeze %dma_wait3A_833 : memref<1x8x128xf32, #tpu.memory_space<vmem>> -> memref<8x128xf32, #tpu.memory_space<vmem>>
    %dma_wait3A_835 = tpu.memref_slice %arg3[%add3A_525, %multiple_of3A_532] : memref<1024x100000xf32, #tpu.memory_space<hbm>> -> memref<8x128xf32, #tpu.memory_space<hbm>>
    tpu.wait_dma2 semaphore(%arg8 : memref<!tpu.dma_semaphore, #tpu.memory_space<semaphore_mem>>) src(%dma_wait3A_835 : memref<8x128xf32, #tpu.memory_space<hbm>>) dst(%dma_wait3A_834 : memref<8x128xf32, #tpu.memory_space<vmem>>)
    %dma_wait3A_836 = arith.constant 26 : i32
    %dma_wait3A_837 = arith.constant 0 : i32
    %dma_wait3A_838 = arith.constant 0 : i32
    %dma_wait3A_839 = tpu.memref_slice %arg7[%dma_wait3A_836, %dma_wait3A_837, %dma_wait3A_838] : memref<32x8x128xf32, #tpu.memory_space<vmem>> -> memref<1x8x128xf32, #tpu.memory_space<vmem>>
    %dma_wait3A_840 = tpu.memref_squeeze %dma_wait3A_839 : memref<1x8x128xf32, #tpu.memory_space<vmem>> -> memref<8x128xf32, #tpu.memory_space<vmem>>
    %dma_wait3A_841 = tpu.memref_slice %arg3[%add3A_546, %multiple_of3A_553] : memref<1024x100000xf32, #tpu.memory_space<hbm>> -> memref<8x128xf32, #tpu.memory_space<hbm>>
    tpu.wait_dma2 semaphore(%arg8 : memref<!tpu.dma_semaphore, #tpu.memory_space<semaphore_mem>>) src(%dma_wait3A_841 : memref<8x128xf32, #tpu.memory_space<hbm>>) dst(%dma_wait3A_840 : memref<8x128xf32, #tpu.memory_space<vmem>>)
    %dma_wait3A_842 = arith.constant 27 : i32
    %dma_wait3A_843 = arith.constant 0 : i32
    %dma_wait3A_844 = arith.constant 0 : i32
    %dma_wait3A_845 = tpu.memref_slice %arg7[%dma_wait3A_842, %dma_wait3A_843, %dma_wait3A_844] : memref<32x8x128xf32, #tpu.memory_space<vmem>> -> memref<1x8x128xf32, #tpu.memory_space<vmem>>
    %dma_wait3A_846 = tpu.memref_squeeze %dma_wait3A_845 : memref<1x8x128xf32, #tpu.memory_space<vmem>> -> memref<8x128xf32, #tpu.memory_space<vmem>>
    %dma_wait3A_847 = tpu.memref_slice %arg3[%add3A_567, %multiple_of3A_574] : memref<1024x100000xf32, #tpu.memory_space<hbm>> -> memref<8x128xf32, #tpu.memory_space<hbm>>
    tpu.wait_dma2 semaphore(%arg8 : memref<!tpu.dma_semaphore, #tpu.memory_space<semaphore_mem>>) src(%dma_wait3A_847 : memref<8x128xf32, #tpu.memory_space<hbm>>) dst(%dma_wait3A_846 : memref<8x128xf32, #tpu.memory_space<vmem>>)
    %dma_wait3A_848 = arith.constant 28 : i32
    %dma_wait3A_849 = arith.constant 0 : i32
    %dma_wait3A_850 = arith.constant 0 : i32
    %dma_wait3A_851 = tpu.memref_slice %arg7[%dma_wait3A_848, %dma_wait3A_849, %dma_wait3A_850] : memref<32x8x128xf32, #tpu.memory_space<vmem>> -> memref<1x8x128xf32, #tpu.memory_space<vmem>>
    %dma_wait3A_852 = tpu.memref_squeeze %dma_wait3A_851 : memref<1x8x128xf32, #tpu.memory_space<vmem>> -> memref<8x128xf32, #tpu.memory_space<vmem>>
    %dma_wait3A_853 = tpu.memref_slice %arg3[%add3A_588, %multiple_of3A_595] : memref<1024x100000xf32, #tpu.memory_space<hbm>> -> memref<8x128xf32, #tpu.memory_space<hbm>>
    tpu.wait_dma2 semaphore(%arg8 : memref<!tpu.dma_semaphore, #tpu.memory_space<semaphore_mem>>) src(%dma_wait3A_853 : memref<8x128xf32, #tpu.memory_space<hbm>>) dst(%dma_wait3A_852 : memref<8x128xf32, #tpu.memory_space<vmem>>)
    %dma_wait3A_854 = arith.constant 29 : i32
    %dma_wait3A_855 = arith.constant 0 : i32
    %dma_wait3A_856 = arith.constant 0 : i32
    %dma_wait3A_857 = tpu.memref_slice %arg7[%dma_wait3A_854, %dma_wait3A_855, %dma_wait3A_856] : memref<32x8x128xf32, #tpu.memory_space<vmem>> -> memref<1x8x128xf32, #tpu.memory_space<vmem>>
    %dma_wait3A_858 = tpu.memref_squeeze %dma_wait3A_857 : memref<1x8x128xf32, #tpu.memory_space<vmem>> -> memref<8x128xf32, #tpu.memory_space<vmem>>
    %dma_wait3A_859 = tpu.memref_slice %arg3[%add3A_609, %multiple_of3A_616] : memref<1024x100000xf32, #tpu.memory_space<hbm>> -> memref<8x128xf32, #tpu.memory_space<hbm>>
    tpu.wait_dma2 semaphore(%arg8 : memref<!tpu.dma_semaphore, #tpu.memory_space<semaphore_mem>>) src(%dma_wait3A_859 : memref<8x128xf32, #tpu.memory_space<hbm>>) dst(%dma_wait3A_858 : memref<8x128xf32, #tpu.memory_space<vmem>>)
    %dma_wait3A_860 = arith.constant 30 : i32
    %dma_wait3A_861 = arith.constant 0 : i32
    %dma_wait3A_862 = arith.constant 0 : i32
    %dma_wait3A_863 = tpu.memref_slice %arg7[%dma_wait3A_860, %dma_wait3A_861, %dma_wait3A_862] : memref<32x8x128xf32, #tpu.memory_space<vmem>> -> memref<1x8x128xf32, #tpu.memory_space<vmem>>
    %dma_wait3A_864 = tpu.memref_squeeze %dma_wait3A_863 : memref<1x8x128xf32, #tpu.memory_space<vmem>> -> memref<8x128xf32, #tpu.memory_space<vmem>>
    %dma_wait3A_865 = tpu.memref_slice %arg3[%add3A_630, %multiple_of3A_637] : memref<1024x100000xf32, #tpu.memory_space<hbm>> -> memref<8x128xf32, #tpu.memory_space<hbm>>
    tpu.wait_dma2 semaphore(%arg8 : memref<!tpu.dma_semaphore, #tpu.memory_space<semaphore_mem>>) src(%dma_wait3A_865 : memref<8x128xf32, #tpu.memory_space<hbm>>) dst(%dma_wait3A_864 : memref<8x128xf32, #tpu.memory_space<vmem>>)
    %dma_wait3A_866 = arith.constant 31 : i32
    %dma_wait3A_867 = arith.constant 0 : i32
    %dma_wait3A_868 = arith.constant 0 : i32
    %dma_wait3A_869 = tpu.memref_slice %arg7[%dma_wait3A_866, %dma_wait3A_867, %dma_wait3A_868] : memref<32x8x128xf32, #tpu.memory_space<vmem>> -> memref<1x8x128xf32, #tpu.memory_space<vmem>>
    %dma_wait3A_870 = tpu.memref_squeeze %dma_wait3A_869 : memref<1x8x128xf32, #tpu.memory_space<vmem>> -> memref<8x128xf32, #tpu.memory_space<vmem>>
    %dma_wait3A_871 = tpu.memref_slice %arg3[%add3A_651, %multiple_of3A_658] : memref<1024x100000xf32, #tpu.memory_space<hbm>> -> memref<8x128xf32, #tpu.memory_space<hbm>>
    tpu.wait_dma2 semaphore(%arg8 : memref<!tpu.dma_semaphore, #tpu.memory_space<semaphore_mem>>) src(%dma_wait3A_871 : memref<8x128xf32, #tpu.memory_space<hbm>>) dst(%dma_wait3A_870 : memref<8x128xf32, #tpu.memory_space<vmem>>)
    %get3A_872 = arith.constant 0 : index
    %get3A_873 = arith.constant 0 : index
    %get3A_874 = arith.constant 0 : index
    %get3A_875 = vector.load %arg7[%get3A_872, %get3A_873, %get3A_874] : memref<32x8x128xf32, #tpu.memory_space<vmem>>, vector<32x8x128xf32>
    %broadcast_in_dim3A_876 = vector.shape_cast %get3A_875 : vector<32x8x128xf32> to vector<1x32x8x128xf32>
    %swap3A_877 = arith.constant 0 : index
    %swap3A_878 = arith.constant 0 : index
    %swap3A_879 = arith.constant 0 : index
    %swap3A_880 = arith.constant 0 : index
    %swap3A_881 = vector.load %arg6[%swap3A_877, %swap3A_878, %swap3A_879, %swap3A_880] : memref<1x32x8x128xf32, #tpu.memory_space<vmem>>, vector<1x32x8x128xf32>
    tpu.vector_store %arg6[%swap3A_877, %swap3A_878, %swap3A_879, %swap3A_880], %broadcast_in_dim3A_876 {strides = array<i32>} : memref<1x32x8x128xf32, #tpu.memory_space<vmem>>, vector<1x32x8x128xf32>,
    return
  }
  func.func @transform_0(%arg0: i32, %arg1: memref<1024xi32, #tpu.memory_space<smem>>) -> (i32, i32) {
    %c0_i32 = arith.constant 0 : i32
    %c0_i32_0 = arith.constant 0 : i32
    return %arg0, %c0_i32 : i32, i32
  }
  func.func @transform_2(%arg0: i32, %arg1: memref<1024xi32, #tpu.memory_space<smem>>) -> (i32, i32) {
    %c0_i32 = arith.constant 0 : i32
    %c0_i32_0 = arith.constant 0 : i32
    return %arg0, %c0_i32 : i32, i32
  }
  func.func @transform_3(%arg0: i32, %arg1: memref<1024xi32, #tpu.memory_space<smem>>) -> (i32, i32) {
    %c0_i32 = arith.constant 0 : i32
    %c0_i32_0 = arith.constant 0 : i32
    return %arg0, %c0_i32 : i32, i32
  }
  func.func @transform_4(%arg0: i32, %arg1: memref<1024xi32, #tpu.memory_space<smem>>) -> (i32, i32, i32, i32) {
    %c0_i32 = arith.constant 0 : i32
    %c0_i32_0 = arith.constant 0 : i32
    %c0_i32_1 = arith.constant 0 : i32
    %c0_i32_2 = arith.constant 0 : i32
    return %arg0, %c0_i32, %c0_i32_0, %c0_i32_1 : i32, i32, i32, i32
  }
}

</mosaic_0001>

<sc_bundles>
// kernel: kernel.5.cloned.1.call-start
scs
__scs_entry_jumppad:
0x0: {  	(pc) =	sbr.rel $0x88, $3  }
0x1: {  	(tag) =	ssettag $0x0;
	lr =	simm.s32 $0x1  }
0x2: {  	[smem:$0x3F9E] =	sst lr;
	_ =	strace $0xD0000000  }
0x3: {  	_ = 	snop  }
0x4: {  	_ = 	snop  }
0x5: {  	_ = 	snop  }
0x6: {  	_ = 	snop  }
0x7: {  	_ = 	snop  }
__scs_overlays_trampoline_lowered:
0x8: {  	[smem:$0x3FAD] =	sst s0  }
0x9: {  	[smem:$0x3FAE] =	sst s1  }
0xa: {  	[smem:$0x3FAF] =	sst s2  }
0xb: {  	[smem:$0x3FB0] =	sst s3  }
0xc: {  	[smem:$0x3FB1] =	sst s4  }
0xd: {  	[smem:$0x3FB2] =	sst s5  }
0xe: {  	[smem:$0x3FB3] =	sst s6  }
0xf: {  	[smem:$0x3FB4] =	sst s7  }
0x10: {  	[smem:$0x3FB5] =	sst s8  }
0x11: {  	[smem:$0x3FB6] =	sst s9;
	s0 =	simm.s32 @!p0 $0x0  }
0x12: {  	s1 =	sld [smem:$0x3F9C];
	s0 =	simm.s32 @p0 $0x1  }
0x13: {  	[smem:$0x3FB7] =	sst s0;
	s0 =	simm.s32 @!p1 $0x0  }
0x14: {  	s2 =	sld [smem:$0x3F9B];
	s0 =	simm.s32 @p1 $0x1  }
0x15: {  	[smem:$0x3FB8] =	sst s0;
	s0 =	simm.s32 @!p2 $0x0  }
0x16: {  	s3 =	sld [smem:$0x3FDB];
	s0 =	simm.s32 @p2 $0x1  }
0x17: {  	s4 =	simm.s32 $0x1BF5;
	[smem:$0x3FBA] =	sst s0  }
0x18: {  	s0 =	sld [smem:$0x3F9D];
	_ =	swait.ge [sflag:s4], $0x0  }
0x19: {  	s7 =	sld [smem:$0x3F9E]  }
0x1a: {  	s8 =	sadd.s32 $0xFFFFE003, lr  }
0x1b: {  	s9 =	sadd.s32 $0xFFFFFEF7, lr;
	s5 =	simm.s32 $0xFFFFFFFF;
	p2 =	slt.u32 s8, $0xFFFFF086  }
0x1c: {  	p1 =	slt.u32 s9, $0xF7A;
	s5 =	simm.s32 @!p2 $0x0  }
0x1d: {  	s5 =	simm.s32 @p1 $0x1;
	p0 =	seq.s32 s7, s2  }
0x1e: {  	s7 =	smul.u32 @!p0 $0xF7A, s2;
	p2 =	seq.s32 @!p0 s5, $0x0  }
0x1f: {  	s9 =	smul.u32 $0xF7A, s1;
	s8 =	simm.s32 @!p0 $0x1BF5;
	p2 =	por !p2, p0  }
0x20: {  	[sflag:s8] =	ssyncset.s32 @!p0 $0xFFFFF086;
	s6 =	sadd.s32 @!p0 s3, s7;
	s7 =	simm.s32 @!p0 $0x108  }
0x21: {  	s3 =	sadd.s32 s3, s9;
	s6 =	sadd.s32 @!p0 $0x88, s6;
	s7 =	simm.s32 @p2 $0x1082  }
0x22: {  	[simem:s7], [sflag:s8] =	dma.local @!p0 [hbm:s6], $0xF7A  }
0x23: {  	s9 =	sor.u32 $0xD0000000, s2;
	s6 =	simm.s32 $0x108;
	_ =	swait.ge @!p0 [sflag:s8], $0x0  }
0x24: {  	s3 =	sadd.s32 $0x88, s3;
	s6 =	simm.s32 @!p1 $0x1082;
	[sflag:s4] =	ssyncset.s32 $0xFFFFF086  }
0x25: {  	[simem:s6], [sflag:s4] =	dma.local [hbm:s3], $0xF7A  }
0x26: {  	[smem:$0x3F9E] =	sst s1;
	(tag) =	ssettag s2;
	_ =	strace s9  }
0x27: {  	s1 =	sld [smem:$0x3FAE]  }
0x28: {  	s2 =	sld [smem:$0x3FAF]  }
0x29: {  	s4 =	sld [smem:$0x3FB1]  }
0x2a: {  	p0 =	seq.s32 s5, $0x0;
	s5 =	sld [smem:$0x3FB2]  }
0x2b: {  	s6 =	sld [smem:$0x3FB3]  }
0x2c: {  	s7 =	sld [smem:$0x3FB4]  }
0x2d: {  	s3 =	simm.s32 $0x108;
	s8 =	sld [smem:$0x3FB5]  }
0x2e: {  	s3 =	simm.s32 @!p0 $0x1082;
	s9 =	sld [smem:$0x3FB6]  }
0x2f: {  	lr =	sadd.s32 s0, s3;
	s0 =	sld [smem:$0x3FAD]  }
0x30: {  	s3 =	sld [smem:$0x3FB0]  }
0x31: {  	[smem:$0x3FB9] =	sst s10  }
0x32: {  	s10 =	sld [smem:$0x3FB7];
	_ =	sdelay $0x3  }
0x33: {  	p0 =	seq.s32 s10, $0x1;
	s10 =	sld [smem:$0x3FB9];
	_ =	sdelay $0x3  }
0x34: {  	[smem:$0x3FB9] =	sst s10  }
0x35: {  	s10 =	sld [smem:$0x3FB8];
	_ =	sdelay $0x3  }
0x36: {  	p1 =	seq.s32 s10, $0x1;
	s10 =	sld [smem:$0x3FB9];
	_ =	sdelay $0x3  }
0x37: {  	[smem:$0x3FB9] =	sst s10  }
0x38: {  	s10 =	sld [smem:$0x3FBA]  }
0x39: {  	_ = 	snop;
	(pc) =	sbr.ind lr, $3  }
0x3a: {  	_ = 	snop  }
0x3b: {  	_ = 	snop  }
0x3c: {  	p2 =	seq.s32 s10, $0x1;
	s10 =	sld [smem:$0x3FB9]  }
0x3d: {  	_ =	shalt  }
0x3e: {  	_ =	shalt  }
0x3f: {  	_ =	shalt  }
0x40: {  	_ =	shalt  }
0x41: {  	_ =	shalt  }
0x42: {  	_ =	shalt  }
0x43: {  	_ =	shalt  }
0x44: {  	_ =	shalt  }
0x45: {  	_ =	shalt  }
0x46: {  	_ =	shalt  }
0x47: {  	_ =	shalt  }
0x48: {  	_ =	shalt  }
0x49: {  	_ =	shalt  }
0x4a: {  	_ =	shalt  }
0x4b: {  	_ =	shalt  }
0x4c: {  	_ =	shalt  }
0x4d: {  	_ =	shalt  }
0x4e: {  	_ =	shalt  }
0x4f: {  	_ =	shalt  }
0x50: {  	_ =	shalt  }
0x51: {  	_ =	shalt  }
0x52: {  	_ =	shalt  }
0x53: {  	_ =	shalt  }
0x54: {  	_ =	shalt  }
0x55: {  	_ =	shalt  }
0x56: {  	_ =	shalt  }
0x57: {  	_ =	shalt  }
0x58: {  	_ =	shalt  }
0x59: {  	_ =	shalt  }
0x5a: {  	_ =	shalt  }
0x5b: {  	_ =	shalt  }
0x5c: {  	_ =	shalt  }
0x5d: {  	_ =	shalt  }
0x5e: {  	_ =	shalt  }
0x5f: {  	_ =	shalt  }
0x60: {  	_ =	shalt  }
0x61: {  	_ =	shalt  }
0x62: {  	_ =	shalt  }
0x63: {  	_ =	shalt  }
0x64: {  	_ =	shalt  }
0x65: {  	_ =	shalt  }
0x66: {  	_ =	shalt  }
0x67: {  	_ =	shalt  }
0x68: {  	_ =	shalt  }
0x69: {  	_ =	shalt  }
0x6a: {  	_ =	shalt  }
0x6b: {  	_ =	shalt  }
0x6c: {  	_ =	shalt  }
0x6d: {  	_ =	shalt  }
0x6e: {  	_ =	shalt  }
0x6f: {  	_ =	shalt  }
0x70: {  	_ =	shalt  }
0x71: {  	_ =	shalt  }
0x72: {  	_ =	shalt  }
0x73: {  	_ =	shalt  }
0x74: {  	_ =	shalt  }
0x75: {  	_ =	shalt  }
0x76: {  	_ =	shalt  }
0x77: {  	_ =	shalt  }
0x78: {  	_ =	shalt  }
0x79: {  	_ =	shalt  }
0x7a: {  	_ =	shalt  }
0x7b: {  	_ =	shalt  }
0x7c: {  	_ =	shalt  }
0x7d: {  	_ =	shalt  }
0x7e: {  	_ =	shalt  }
0x7f: {  	_ =	shalt  }
0x80: {  	_ =	shalt  }
0x81: {  	_ =	shalt  }
0x82: {  	_ =	shalt  }
0x83: {  	_ =	shalt  }
0x84: {  	_ =	shalt  }
0x85: {  	_ =	shalt  }
0x86: {  	_ =	shalt  }
0x87: {  	_ =	shalt  }
.Lfunc_end0:
.L_simem_size_0:
called_computation_lowered:
.L_overlay_start_0:
0x88: {  	s2 =	sld [smem:$0x3FD9]  }
0x89: {  	s3 =	sld [smem:$0x3FFE];
	_ =	sdelay $0x1  }
0x8a: {  	s1 =	srdreg.scid  }
0x8b: {  	s0 =	sand.u32 $0x1, s1  }
0x8c: {  	s17 =	sshll.u32 s0, $0xA;
	s2 =	sadd.s32 s3, s2  }
0x8d: {  	s2 =	sadd.s32 s2, s17  }
0x8e: {  	[smem:$0x3FC5] =	sst s2  }
0x8f: {  	_ = 	snop  }
0x90: {  	s2 =	sld [smem:$0x3FC7];
	(tm) =	ssettm $0x1  }
0x91: {  	s18 =	sld [smem:$0x3FFB];
	_ =	sdelay $0x3  }
0x92: {  	_ =	strace s18  }
0x93: {  	s3 =	sld [smem:$0x3FFC];
	_ =	sdelay $0x3  }
0x94: {  	_ =	strace s3  }
0x95: {  	s3 =	sld [smem:$0x3FFD];
	_ =	sdelay $0x3  }
0x96: {  	_ =	strace s3  }
0x97: {  	_ =	strace $0x8FFFFFFF  }
0x98: {  	s19 =	sld [smem:$0x3FDB];
	_ =	sdelay $0x1  }
0x99: {  	s4 =	simm.s32 $_scs_section_size  }
0x9a: {  	s5 =	simm.s32 $_size__tile_overlayer_lowered;
	s6 =	simm.s32 $_tile_overlayer_lowered  }
0x9b: {  	s22 =	simm.s32 $0x1BFF;
	s21 =	sshll.u32 s6, $0x1;
	s3 =	sadd.s32 s4, s19  }
0x9c: {  	s7 =	simm.s32 $0x0;
	s20 =	sshll.u32 s5, $0x1;
	s5 =	sadd.s32 s21, s3  }
0x9d: {  	[timem:s7], [sflag:s22] =	dma.local [hbm:s5], s20  }
0x9e: {  	_ =	swait.ge [sflag:s22], s20  }
0x9f: {  	s4 =	ssub.s32 $0x0, s20;
	[sflag:s22] =	ssyncset.done $0x0  }
0xa0: {  	[sflag:s22] =	ssyncadd.s32 s4;
	_ =	sdelay $0x1  }
0xa1: {  	s23 =	simm.s32 $0x1B8B  }
0xa2: {  	_ =	swait.ge [sflag:s23], $0x1  }
0xa3: {  	[sflag:s23] =	ssyncset.done $0x0  }
0xa4: {  	s25 =	simm.s32 $0x1B8E;
	s24 =	sld [smem:$0x3FFE];
	[sflag:s23] =	ssyncadd.s32 $0xFFFFFFFF  }
0xa5: {  	s26 =	simm.s32 $execute0_lowered;
	[smem:$0x3FD2] =	sst s25  }
0xa6: {  	s5 =	sshll.u32 s26, $0x1;
	_ =	strace $0x80000046;
	[dreg:$0x1] =	wrdreg $0xFFFFFFFF  }
0xa7: {  	s28 =	simm.s32 $_size_execute0_lowered;
	s3 =	sadd.s32 s3, s5;
	[dreg:$0x0] =	wrdreg $0x0  }
0xa8: {  	s5 =	sshll.u32 s28, $0x1;
	[dreg:$0x2] =	wrdreg s3  }
0xa9: {  	[dreg:$0x3] =	wrdreg s5  }
0xaa: {  	[dreg:$0x4] =	wrdreg $0xC0  }
0xab: {  	_ =	task [dreg:s7], $0x5FFFF  }
0xac: {  	[dreg:$0x1] =	wrdreg $0xFFFFFFFF  }
0xad: {  	[dreg:$0x0] =	wrdreg $0x60  }
0xae: {  	[dreg:$0x2] =	wrdreg s24  }
0xaf: {  	[dreg:$0x3] =	wrdreg s2  }
0xb0: {  	[dreg:$0x4] =	wrdreg $0x9  }
0xb1: {  	_ =	task.clear_ibuf [dreg:s7], $0x5FFFF;
	_ =	strace $0x90000046  }
0xb2: {  	s29 =	simm.s32 $0x9;
	_ =	strace $0x80000048  }
0xb3: {  	_ =	swait.ge [sflag:s29], $0x1  }
0xb4: {  	[sflag:s29] =	ssyncadd.s32 $0xFFFFFFFF  }
0xb5: {  	_ =	strace $0x90000048  }
0xb6: {  	_ =	sfence  }
0xb7: {  	s30 =	sld [smem:$0x0];
	_ =	sdelay $0x2  }
0xb8: {  	s31 =	sshll.u32 s1, $0xD;
	s1 =	sshrl.u32 s1, $0x2  }
0xb9: {  	s3 =	sand.u32 $0x4000, s31;
	s1 =	sadd.s32 s1, s30  }
0xba: {  	s0 =	sor.u32 s3, s0;
	s1 =	sshll.u32 s1, $0x11  }
0xbb: {  	s0 =	sor.u32 s1, s0  }
0xbc: {  	s0 =	sadd.s32 $0x8F2B, s0  }
0xbd: {  	[sflag:s0] =	ssyncadd.remote.s32 $0x1  }
0xbe: {  	_ =	sfence.sel $0xFFFF  }
0xbf: {  	[dreg:$0x0] =	wrdreg $0xFFFFFFFF;
	(pc) =	sbr.abs _section_cstart, $3  }
0xc0: {  	[dreg:$0x1] =	wrdreg $0xFFFFFFFF  }
0xc1: {  	_ =	task.clear_ibuf [dreg:s7], $0x2FFFF;
	_ =	strace $0x9FFFFFFF  }
0xc2: {  	(tm) =	ssettm $0x7FFFFFFF  }
0xc3: {  	_ =	shalt  }
tec
execute0_lowered:
.L_overlay_start_1:
0x0: {  	(tag) =	ssettag $0x1  }
0x1: {  	s1 =	srdreg.scid  }
0x2: {  	s9 =	rddreg [dreg:$0x0];
	s0 =	stileid.u32;
	s6 =	sand.u32 $0x1, s1  }
0x3: {  	s3 =	rddreg [dreg:$0x1];
	s4 =	sshll.u32 s0, $0x6;
	s5 =	sshll.u32 s6, $0x5  }
0x4: {  	s2 =	simm.s32 $0x0;
	s1 =	rddreg [dreg:$0x2];
	s5 =	sor.u32 s5, s4  }
0x5: {  	[smem:$0x7FF] =	sst s2;
	s10 =	sshrl.u32 s5, $0x3  }
0x6: {  	_ =	strace $0x80000047;
	s4 =	sadd.s32 s3, s10;
	s3 =	simm.s32 $0x2  }
0x7: {  	[tilespmem:s2], [sflag:$0x2] =	stream.linear.gather [hbm4b:s4+s2], $0x20, $0x38;
	[tilespmem:$0x100] =	vst v63  }
0x8: {  	_ =	swait.ge [sflag:s3], $0x20  }
0x9: {  	[sflag:s3] =	ssyncset.done $0x0  }
0xa: {  	[sflag:s3] =	ssyncadd.s32 $0xFFFFFFE0  }
0xb: {  	v1 =	vld [tilespmem:$0x0]  }
0xc: {  	v0 =	vlaneseq.u32;
	v2 =	vld [tilespmem:$0x10]  }
0xd: {  	v4 =	vmul.u32 $0x400, v0;
	v0 =	vand.u32 $0x7, v0;
	v3 =	vmov s5;
	s5 =	sor.u32 $0x10, s5  }
0xe: {  	v5 =	vmul.u32 $0x80, v0;
	v3 =	vshll.u32 v3, $0xA;
	v0 =	vmov s5  }
0xf: {  	s11 =	ssub.s32 $0x2, s6;
	v3 =	vor.u32 v4, v3;
	v0 =	vshll.u32 v0, $0xA  }
0x10: {  	s12 =	sshrl.u32 s11, $0x1;
	v4 =	vor.u32 v4, v0;
	v0 =	vor.u32 v5, v3;
	v3 =	vand.u32 $0x7F, v1  }
0x11: {  	s7 =	simm.s32 $0x80;
	s31 =	ssub.s32 s11, s12;
	v1 =	vor.u32 v5, v4;
	v2 =	vand.u32 $0x7F, v2;
	v3 =	vor.u32 v0, v3  }
0x12: {  	s5 =	sadd.s32 $0xC00, s9;
	s9 =	sadd.s32 s10, s9;
	s10 =	smax.u32 s31, $0x1;
	v2 =	vor.u32 v1, v2;
	[tilespmem:$0x0] =	vst v3  }
0x13: {  	s8 =	simm.s32 $0x1;
	s6 =	simm.s32 $0x20;
	p0 =	sne.s32 s10, $0x1;
	[tilespmem:$0x10] =	vst v2  }
0x14: {  	[tilespmem:s7], [sflag:$0x1] =	stream.indirect.gather [hbm4b:s5+s6], $0x1, s2, s6, $0xb8;
	[tilespmem:$0x100] =	vst v63  }
.Ltmp0:
0x15: {  	_ =	swait.ge [sflag:s8], $0x20;
	(pc) =	sbr.rel @!p0 .LBB2_2-.Ltmp0, $4  }
0x16: {  	[sflag:s8] =	ssyncset.done $0x0  }
0x17: {  	s9 =	sadd.s32 $0x20C00, s9;
	[sflag:s8] =	ssyncadd.s32 $0xFFFFFFE0  }
0x18: {  	[hbm4b:s9+s2] =	stream.linear.scatter [tilespmem:s7], [sflag:$0x2], $0x20, $0x38;
	[tilespmem:$0x100] =	vst v63  }
0x19: {  	s10 =	sadd.s32 $0xFFFFFFFF, s10;
	_ =	swait.ge [sflag:s3], $0x20  }
.LBB2_1:
0x1a: {  	p0 =	sne.s32 s10, $0x1;
	s10 =	sadd.s32 $0xFFFFFFFF, s10;
	[sflag:s3] =	ssyncset.done $0x0  }
0x1b: {  	[sflag:s3] =	ssyncadd.s32 $0xFFFFFFE0  }
0x1c: {  	[tilespmem:s2], [sflag:$0x2] =	stream.linear.gather [hbm4b:s4+s2], $0x20, $0x38;
	[tilespmem:$0x100] =	vst v63  }
0x1d: {  	_ =	swait.ge [sflag:s3], $0x20  }
0x1e: {  	[sflag:s3] =	ssyncset.done $0x0  }
0x1f: {  	[sflag:s3] =	ssyncadd.s32 $0xFFFFFFE0  }
0x20: {  	v2 =	vld [tilespmem:$0x0]  }
0x21: {  	v3 =	vld [tilespmem:$0x10];
	_ =	sdelay $0x3  }
0x22: {  	v2 =	vand.u32 $0x7F, v2  }
0x23: {  	v2 =	vor.u32 v0, v2;
	v3 =	vand.u32 $0x7F, v3  }
0x24: {  	[tilespmem:$0x0] =	vst v2;
	v2 =	vor.u32 v1, v3  }
0x25: {  	[tilespmem:$0x10] =	vst v2  }
0x26: {  	[tilespmem:s7], [sflag:$0x1] =	stream.indirect.gather [hbm4b:s5+s6], $0x1, s2, s6, $0xb8;
	[tilespmem:$0x100] =	vst v63  }
.Ltmp1:
0x27: {  	_ =	swait.ge [sflag:s8], $0x20;
	(pc) =	sbr.rel @p0 .LBB2_1-.Ltmp1, $4  }
0x28: {  	[sflag:s8] =	ssyncset.done $0x0  }
0x29: {  	[sflag:s8] =	ssyncadd.s32 $0xFFFFFFE0  }
0x2a: {  	[hbm4b:s9+s2] =	stream.linear.scatter [tilespmem:s7], [sflag:$0x2], $0x20, $0x38;
	[tilespmem:$0x100] =	vst v63  }
0x2b: {  	_ =	swait.ge [sflag:s3], $0x20  }
.LBB2_2:
0x2c: {  	[sflag:s3] =	ssyncset.done $0x0  }
0x2d: {  	[sflag:s3] =	ssyncadd.s32 $0xFFFFFFE0  }
0x2e: {  	_ =	sfence.sel $0x180000  }
0x2f: {  	[bflag:$0x0] =	sbarrier.arrive $0xFFFF  }
0x30: {  	p0 =	sne.s32 s0, $0x0;
	_ =	strace $0x90000047  }
0x31: {  	s0 =	sadd.s32 @!p0 $0x100000, s1;
	[bflag:$0x2] =	sbarrier.arrive $0xFFFF  }
0x32: {  	[sflag:s0] =	ssyncadd.tile.s32 @!p0 $0x1;
	_ =	shalt  }
.Lfunc_end2:
_tile_overlayer_lowered:
.L_overlay_start_2:
0x33: {  	(tag) =	ssettag $0x2  }
0x34: {  	s0 =	rddreg [dreg:$0x0];
	s2 =	stileid.u32  }
0x35: {  	s1 =	rddreg [dreg:$0x1];
	p0 =	sne.s32 s2, $0x0  }
0x36: {  	s3 =	rddreg [dreg:$0x2];
	[bflag:$0x3] =	sbarrier.arrive $0xFFFF;
	s2 =	simm.s32 @!p0 $0x1C02  }
0x37: {  	[timem:s3], [sflag:s2] =	dma.local @!p0 [hbm:s0], s1  }
0x38: {  	s0 =	simm.s32 @!p0 $0x2  }
0x39: {  	_ =	swait.ge @!p0 [sflag:s0], s1  }
0x3a: {  	s1 =	ssub.s32 @!p0 $0x0, s1;
	[sflag:s0] =	ssyncset.done @!p0 $0x0  }
0x3b: {  	[sflag:s0] =	ssyncadd.s32 @!p0 s1  }
0x3c: {  	[bflag:$0x3] =	sbarrier.arrive $0xFFFF  }
0x3d: {  	_ =	shalt  }

</sc_bundles>
